<compile_context>
chip_gen: v7x
topology: tpu7x:2x2x1
jax: 0.10.2.dev20260603
libtpu: 0.0.44.dev20260713+nightly
codegen_flags: <defaults>
</compile_context>

<pallas_src>
import functools

import jax
import jax.numpy as jnp
import numpy as np
from jax import lax
from jax.experimental import pallas as pl
from jax.experimental.pallas import tpu as pltpu
from jax.experimental.pallas import tpu_sc as plsc

BINS = 2048
Q_MIN, Q_MAX = 0, 255
EPS = float(np.finfo(np.float32).eps)

N = 33554432
MM_ROWS = N // 128
MM_BLK = MM_ROWS // 8
FQ_BLK = N // 32

NC, NS, L = 2, 16, 16
NW = NC * NS
PER_W = N // NW
CHUNK = 32768
NBUF = 2
NCH = PER_W // CHUNK
REP_STRIDE = BINS + L + 1
HIST_WORDS = L * REP_STRIDE


def _mm_body(x_ref, min_ref, max_ref):
    i = pl.program_id(0)
    bmin = jnp.min(x_ref[...])
    bmax = jnp.max(x_ref[...])

    @pl.when(i == 0)
    def _():
        min_ref[0, 0] = bmin
        max_ref[0, 0] = bmax

    @pl.when(i != 0)
    def _():
        min_ref[0, 0] = jnp.minimum(min_ref[0, 0], bmin)
        max_ref[0, 0] = jnp.maximum(max_ref[0, 0], bmax)


_minmax = pl.pallas_call(
    _mm_body,
    grid=(MM_ROWS // MM_BLK,),
    in_specs=[pl.BlockSpec((MM_BLK, 128), lambda i: (i, 0))],
    out_specs=[
        pl.BlockSpec((1, 1), lambda i: (0, 0), memory_space=pltpu.SMEM),
        pl.BlockSpec((1, 1), lambda i: (0, 0), memory_space=pltpu.SMEM),
    ],
    out_shape=[
        jax.ShapeDtypeStruct((1, 1), jnp.float32),
        jax.ShapeDtypeStruct((1, 1), jnp.float32),
    ],
)


def _fq_body(qp_ref, x_ref, o_ref):
    s = qp_ref[0, 0]
    inv_s = qp_ref[0, 1]
    z = qp_ref[0, 2]
    q = jnp.clip(jnp.round(x_ref[...] * inv_s) + z, 0.0, 255.0)
    o_ref[...] = (q - z) * s


_fakequant = pl.pallas_call(
    _fq_body,
    grid=(N // FQ_BLK,),
    in_specs=[
        pl.BlockSpec(memory_space=pltpu.SMEM),
        pl.BlockSpec((FQ_BLK,), lambda i: (i,)),
    ],
    out_specs=pl.BlockSpec((FQ_BLK,), lambda i: (i,)),
    out_shape=jax.ShapeDtypeStruct((N,), jnp.float32),
)


def _hsum_body(h_ref, o_ref):
    acc = h_ref[pl.ds(0, BINS)]
    for r in range(1, NW):
        acc = acc + h_ref[pl.ds(r * BINS, BINS)]
    o_ref[...] = acc


_hist_sum = pl.pallas_call(
    _hsum_body,
    out_shape=jax.ShapeDtypeStruct((BINS,), jnp.float32),
)


@functools.partial(
    pl.kernel,
    out_type=jax.ShapeDtypeStruct((NW * BINS,), jnp.float32),
    mesh=plsc.VectorSubcoreMesh(core_axis_name="c", subcore_axis_name="s"),
    compiler_params=pltpu.CompilerParams(needs_layout_passes=False,
                                         use_tc_tiling_on_sc=True),
    scratch_types=(
        [pltpu.VMEM((CHUNK,), jnp.float32)] * NBUF
        + [
            pltpu.VMEM((HIST_WORDS,), jnp.float32),
            pltpu.VMEM((BINS,), jnp.float32),
            pltpu.VMEM((L,), jnp.float32),
            pltpu.VMEM((L,), jnp.float32),
        ]
        + [pltpu.SemaphoreType.DMA] * NBUF
    ),
)
def _sc_hist(x_hbm, params_hbm, out_hbm, *refs):
    bufs = refs[:NBUF]
    hist, red, pinvw, pbias = refs[NBUF:NBUF + 4]
    sems = refs[NBUF + 4:]
    wid = lax.axis_index("s") * NC + lax.axis_index("c")
    base = wid * PER_W

    pltpu.sync_copy(params_hbm.at[pl.ds(0, L)], pinvw)
    pltpu.sync_copy(params_hbm.at[pl.ds(L, L)], pbias)
    invw = pinvw[...]
    bias = pbias[...]
    lane_off = lax.iota(jnp.int32, L) * REP_STRIDE
    ones = jnp.full((L,), 1.0, jnp.float32)
    zeros = jnp.zeros((L,), jnp.float32)

    def zero_body(j, _):
        hist[pl.ds(j * L, L)] = zeros
        return 0

    lax.fori_loop(0, HIST_WORDS // L, zero_body, 0)

    def process(buf):
        @plsc.parallel_loop(0, CHUNK // L, unroll=8)
        def _(j):
            xv = buf[pl.ds(j * L, L)]
            t = xv * invw + bias
            bi = jnp.minimum(t.astype(jnp.int32), BINS - 1)
            plsc.addupdate_scatter(hist, [bi + lane_off], ones)

    for c in range(NBUF - 1):
        pltpu.async_copy(
            x_hbm.at[pl.ds(base + c * CHUNK, CHUNK)], bufs[c], sems[c])

    def ring_body(q, _):
        c0 = NBUF * q
        for b in range(NBUF):
            c = c0 + b
            pltpu.make_async_copy(
                x_hbm.at[pl.ds(base + c * CHUNK, CHUNK)],
                bufs[b], sems[b]).wait()
            nb = (b + NBUF - 1) % NBUF

            @pl.when(c + NBUF - 1 < NCH)
            def _():
                pltpu.async_copy(
                    x_hbm.at[pl.ds(base + (c + NBUF - 1) * CHUNK, CHUNK)],
                    bufs[nb], sems[nb])

            process(bufs[b])
        return 0

    lax.fori_loop(0, NCH // NBUF, ring_body, 0)

    def red_body(j, _):
        acc = hist[pl.ds(j * L, L)]
        for l in range(1, L):
            acc = acc + hist[pl.ds(l * REP_STRIDE + j * L, L)]
        red[pl.ds(j * L, L)] = acc
        return 0

    lax.fori_loop(0, BINS // L, red_body, 0)
    pltpu.sync_copy(red, out_hbm.at[pl.ds(wid * BINS, BINS)])


def kernel(x):
    mn, mx = _minmax(x.reshape(MM_ROWS, 128))
    min_val = mn[0, 0]
    max_val = mx[0, 0]

    bin_width = (max_val - min_val) / BINS
    safe_w = jnp.maximum(bin_width, EPS)
    inv_w = 1.0 / safe_w

    min_neg = jnp.minimum(min_val, 0.0)
    max_pos = jnp.maximum(max_val, 0.0)
    scale = jnp.maximum((max_pos - min_neg) / float(Q_MAX - Q_MIN), EPS)
    zero_point = jnp.clip(Q_MIN - jnp.round(min_neg / scale),
                          float(Q_MIN), float(Q_MAX))

    params = jnp.concatenate([
        jnp.broadcast_to(inv_w, (L,)),
        jnp.broadcast_to(-min_val * inv_w, (L,)),
    ]).astype(jnp.float32)
    hist32 = _sc_hist(x, params)
    histogram = _hist_sum(hist32)

    qp = jnp.stack([scale, 1.0 / scale, zero_point]).reshape(1, 3)
    out = _fakequant(qp, x)

    return out, histogram, scale, zero_point.astype(jnp.int32)

# --- scband reference (transcript-rebuilt; emitter-appended) ---
"""Pipeline reference for scband-histogram-observer-17987323036277 (READ-ONLY COPY).

The authoritative reference and input builder live on the scoring server;
editing this copy changes nothing except your own understanding.
"""

import jax, jax.numpy as jnp
import numpy as np

BINS = 2048
Q_MIN, Q_MAX = 0, 255  # quint8, per_tensor_affine
EPS = float(np.finfo(np.float32).eps)


def setup_inputs(seed: int = 0) -> dict:
    key = jax.random.key(seed)
    x = jax.random.normal(key, (33554432,), dtype=jnp.float32)
    return {"x": x}


def reference(x):
    # observe: running min/max over observed tensor
    min_val = jnp.min(x)
    max_val = jnp.max(x)

    # histogram accumulation over [min_val, max_val] with BINS bins
    bin_width = (max_val - min_val) / BINS
    safe_w = jnp.maximum(bin_width, EPS)
    idx = jnp.clip(jnp.floor((x - min_val) / safe_w).astype(jnp.int32), 0, BINS - 1)
    histogram = jnp.zeros((BINS,), dtype=jnp.float32).at[idx].add(1.0)

    # _calculate_qparams for per_tensor_affine quint8
    min_val_neg = jnp.minimum(min_val, 0.0)
    max_val_pos = jnp.maximum(max_val, 0.0)
    scale = (max_val_pos - min_val_neg) / float(Q_MAX - Q_MIN)
    scale = jnp.maximum(scale, EPS)
    zero_point = Q_MIN - jnp.round(min_val_neg / scale)
    zero_point = jnp.clip(zero_point, Q_MIN, Q_MAX)

    # fake quantize: quantize -> clamp -> dequantize
    q = jnp.clip(jnp.round(x / scale) + zero_point, Q_MIN, Q_MAX)
    out = (q - zero_point) * scale
    return out, histogram, scale, zero_point.astype(jnp.int32)

if __name__ == "__main__":
    import jax
    _d = setup_inputs()
    print(jax.jit(kernel)(*tuple(_d.values())))

</pallas_src>

<mosaic_0001>
#map = affine_map<(d0, d1) -> (0)>
module attributes {stable_mosaic.version = 14 : i64} {
  func.func @_sc_hist(%arg0: i32, %arg1: i32, %arg2: memref<33554432xf32, #tpu.memory_space<hbm>>, %arg3: memref<32xf32, #tpu.memory_space<hbm>>, %arg4: memref<65536xf32, #tpu.memory_space<hbm>>, %arg5: memref<32768xf32, #tpu.memory_space<vmem>>, %arg6: memref<32768xf32, #tpu.memory_space<vmem>>, %arg7: memref<33040xf32, #tpu.memory_space<vmem>>, %arg8: memref<2048xf32, #tpu.memory_space<vmem>>, %arg9: memref<16xf32, #tpu.memory_space<vmem>>, %arg10: memref<16xf32, #tpu.memory_space<vmem>>, %arg11: memref<!tpu.dma_semaphore, #tpu.memory_space<semaphore_mem>>, %arg12: memref<!tpu.dma_semaphore, #tpu.memory_space<semaphore_mem>>) attributes {dimension_semantics = [#tpu.dimension_semantics<core_parallel>, #tpu.dimension_semantics<subcore_parallel>], iteration_bounds = array<i64: 2, 16>, scalar_prefetch = 0 : i64, scratch_operands = 8 : i64, tpu.core_type = #tpu.core_type<sc_vector_subcore>, window_params = [{transform_indices = #map}, {transform_indices = #map}, {transform_indices = #map}]} {
    %mul3A = arith.constant 2 : i32
    %mul3A_0 = arith.muli %arg1, %mul3A : i32
    %add3A = arith.addi %mul3A_0, %arg0 : i32
    %mul3A_1 = arith.constant 1048576 : i32
    %mul3A_2 = arith.muli %add3A, %mul3A_1 : i32
    "tpu.region"() ({
      %run_scoped3A = tpu.sem_alloc : memref<!tpu.dma_semaphore, #tpu.memory_space<semaphore_mem>>
      %dma_start3A_37 = arith.constant 0 : i32
      %dma_start3A_38 = tpu.memref_slice %arg3[%dma_start3A_37] : memref<32xf32, #tpu.memory_space<hbm>> -> memref<16xf32, #tpu.memory_space<hbm>>
      %dma_start3A_39 = arith.constant 0 : i32
      %dma_start3A_40 = tpu.memref_slice %arg3[%dma_start3A_39] : memref<32xf32, #tpu.memory_space<hbm>> -> memref<16xf32, #tpu.memory_space<hbm>>
      tpu.enqueue_dma source(%dma_start3A_40 : memref<16xf32, #tpu.memory_space<hbm>>) target(%arg9 : memref<16xf32, #tpu.memory_space<vmem>>) target_semaphore(%run_scoped3A : memref<!tpu.dma_semaphore, #tpu.memory_space<semaphore_mem>>)
      %dma_wait3A = arith.constant 0 : i32
      %dma_wait3A_41 = tpu.memref_slice %arg3[%dma_wait3A] : memref<32xf32, #tpu.memory_space<hbm>> -> memref<16xf32, #tpu.memory_space<hbm>>
      %dma_wait3A_42 = arith.constant 0 : i32
      %dma_wait3A_43 = tpu.memref_slice %arg3[%dma_wait3A_42] : memref<32xf32, #tpu.memory_space<hbm>> -> memref<16xf32, #tpu.memory_space<hbm>>
      tpu.wait_dma2 semaphore(%run_scoped3A : memref<!tpu.dma_semaphore, #tpu.memory_space<semaphore_mem>>) src(%dma_wait3A_43 : memref<16xf32, #tpu.memory_space<hbm>>) dst(%arg9 : memref<16xf32, #tpu.memory_space<vmem>>)
      tpu.yield
    }) : () -> ()
    "tpu.region"() ({
      %run_scoped3A = tpu.sem_alloc : memref<!tpu.dma_semaphore, #tpu.memory_space<semaphore_mem>>
      %dma_start3A_37 = arith.constant 16 : i32
      %dma_start3A_38 = tpu.memref_slice %arg3[%dma_start3A_37] : memref<32xf32, #tpu.memory_space<hbm>> -> memref<16xf32, #tpu.memory_space<hbm>>
      %dma_start3A_39 = arith.constant 16 : i32
      %dma_start3A_40 = tpu.memref_slice %arg3[%dma_start3A_39] : memref<32xf32, #tpu.memory_space<hbm>> -> memref<16xf32, #tpu.memory_space<hbm>>
      tpu.enqueue_dma source(%dma_start3A_40 : memref<16xf32, #tpu.memory_space<hbm>>) target(%arg10 : memref<16xf32, #tpu.memory_space<vmem>>) target_semaphore(%run_scoped3A : memref<!tpu.dma_semaphore, #tpu.memory_space<semaphore_mem>>)
      %dma_wait3A = arith.constant 16 : i32
      %dma_wait3A_41 = tpu.memref_slice %arg3[%dma_wait3A] : memref<32xf32, #tpu.memory_space<hbm>> -> memref<16xf32, #tpu.memory_space<hbm>>
      %dma_wait3A_42 = arith.constant 16 : i32
      %dma_wait3A_43 = tpu.memref_slice %arg3[%dma_wait3A_42] : memref<32xf32, #tpu.memory_space<hbm>> -> memref<16xf32, #tpu.memory_space<hbm>>
      tpu.wait_dma2 semaphore(%run_scoped3A : memref<!tpu.dma_semaphore, #tpu.memory_space<semaphore_mem>>) src(%dma_wait3A_43 : memref<16xf32, #tpu.memory_space<hbm>>) dst(%arg10 : memref<16xf32, #tpu.memory_space<vmem>>)
      tpu.yield
    }) : () -> ()
    %get3A = arith.constant 0 : index
    %get3A_3 = tpu.vector_load %arg9[%get3A] {strides = array<i32>} : memref<16xf32, #tpu.memory_space<vmem>>, vector<16xf32>,
    %get3A_4 = arith.constant 0 : index
    %get3A_5 = tpu.vector_load %arg10[%get3A_4] {strides = array<i32>} : memref<16xf32, #tpu.memory_space<vmem>>, vector<16xf32>,
    %iota3A = tpu.iota {dimensions = array<i32: 0>} : vector<16xi32>
    %mul3A_6 = arith.constant 2065 : i32
    %mul3A_7 = vector.broadcast %mul3A_6 : i32 to vector<16xi32>
    %mul3A_8 = arith.muli %iota3A, %mul3A_7 : vector<16xi32>
    %broadcast_in_dim3A = arith.constant 1.000000e+00 : f32
    %broadcast_in_dim3A_9 = vector.broadcast %broadcast_in_dim3A : f32 to vector<16xf32>
    %broadcast_in_dim3A_10 = arith.constant 0.000000e+00 : f32
    %broadcast_in_dim3A_11 = vector.broadcast %broadcast_in_dim3A_10 : f32 to vector<16xf32>
    %scan3A = arith.constant 0 : i32
    %scan3A_12 = arith.constant 0 : i32
    %scan3A_13 = arith.constant 2065 : i32
    %scan3A_14 = arith.addi %scan3A_12, %scan3A_13 : i32
    %scan3A_15 = arith.constant 1 : i32
    %scan3A_16 = scf.for %scan3A_37 = %scan3A_12 to %scan3A_14 step %scan3A_15 iter_args(%scan3A_38 = %scan3A) -> (i32)  : i32 {
      %mul3A_39 = arith.constant 16 : i32
      %mul3A_40 = arith.muli %scan3A_37, %mul3A_39 : i32
      %swap3A = arith.index_cast %mul3A_40 : i32 to index
      %swap3A_41 = tpu.vector_load %arg7[%swap3A] {strides = array<i32>} : memref<33040xf32, #tpu.memory_space<vmem>>, vector<16xf32>,
      tpu.vector_store %arg7[%swap3A], %broadcast_in_dim3A_11 {strides = array<i32>} : memref<33040xf32, #tpu.memory_space<vmem>>, vector<16xf32>,
      %scan3A_42 = arith.constant 0 : i32
      scf.yield %scan3A_42 : i32
    }
    %scan3A_17 = arith.constant 2065 : i32
    %add3A_18 = arith.constant 0 : i32
    %add3A_19 = arith.addi %mul3A_2, %add3A_18 : i32
    %dma_start3A = tpu.memref_slice %arg2[%add3A_19] : memref<33554432xf32, #tpu.memory_space<hbm>> -> memref<32768xf32, #tpu.memory_space<hbm>>
    %dma_start3A_20 = tpu.memref_slice %arg2[%add3A_19] : memref<33554432xf32, #tpu.memory_space<hbm>> -> memref<32768xf32, #tpu.memory_space<hbm>>
    tpu.enqueue_dma source(%dma_start3A_20 : memref<32768xf32, #tpu.memory_space<hbm>>) target(%arg5 : memref<32768xf32, #tpu.memory_space<vmem>>) target_semaphore(%arg11 : memref<!tpu.dma_semaphore, #tpu.memory_space<semaphore_mem>>)
    %scan3A_21 = arith.constant 0 : i32
    %scan3A_22 = arith.constant 0 : i32
    %scan3A_23 = arith.constant 16 : i32
    %scan3A_24 = arith.addi %scan3A_22, %scan3A_23 : i32
    %scan3A_25 = arith.constant 1 : i32
    %scan3A_26 = scf.for %scan3A_37 = %scan3A_22 to %scan3A_24 step %scan3A_25 iter_args(%scan3A_38 = %scan3A_21) -> (i32)  : i32 {
      %mul3A_39 = arith.constant 2 : i32
      %mul3A_40 = arith.muli %mul3A_39, %scan3A_37 : i32
      %add3A_41 = arith.constant 0 : i32
      %add3A_42 = arith.addi %mul3A_40, %add3A_41 : i32
      %mul3A_43 = arith.constant 32768 : i32
      %mul3A_44 = arith.muli %add3A_42, %mul3A_43 : i32
      %add3A_45 = arith.addi %mul3A_2, %mul3A_44 : i32
      %dma_wait3A = tpu.memref_slice %arg2[%add3A_45] : memref<33554432xf32, #tpu.memory_space<hbm>> -> memref<32768xf32, #tpu.memory_space<hbm>>
      %dma_wait3A_46 = tpu.memref_slice %arg2[%add3A_45] : memref<33554432xf32, #tpu.memory_space<hbm>> -> memref<32768xf32, #tpu.memory_space<hbm>>
      tpu.wait_dma2 semaphore(%arg11 : memref<!tpu.dma_semaphore, #tpu.memory_space<semaphore_mem>>) src(%dma_wait3A_46 : memref<32768xf32, #tpu.memory_space<hbm>>) dst(%arg5 : memref<32768xf32, #tpu.memory_space<vmem>>)
      %add3A_47 = arith.constant 2 : i32
      %add3A_48 = arith.addi %add3A_42, %add3A_47 : i32
      %sub3A = arith.constant 1 : i32
      %sub3A_49 = arith.subi %add3A_48, %sub3A : i32
      %lt3A = arith.constant 32 : i32
      %lt3A_50 = arith.cmpi slt, %sub3A_49, %lt3A : i32
      %convert_element_type3A = arith.extui %lt3A_50 : i1 to i32
      %cond3A = arith.constant 0 : i32
      %cond3A_51 = arith.cmpi ne, %convert_element_type3A, %cond3A : i32
      scf.if %cond3A_51 {
        %add3A_74 = arith.constant 2 : i32
        %add3A_75 = arith.addi %add3A_42, %add3A_74 : i32
        %sub3A_76 = arith.constant 1 : i32
        %sub3A_77 = arith.subi %add3A_75, %sub3A_76 : i32
        %mul3A_78 = arith.constant 32768 : i32
        %mul3A_79 = arith.muli %sub3A_77, %mul3A_78 : i32
        %add3A_80 = arith.addi %mul3A_2, %mul3A_79 : i32
        %dma_start3A_81 = tpu.memref_slice %arg2[%add3A_80] : memref<33554432xf32, #tpu.memory_space<hbm>> -> memref<32768xf32, #tpu.memory_space<hbm>>
        %dma_start3A_82 = tpu.memref_slice %arg2[%add3A_80] : memref<33554432xf32, #tpu.memory_space<hbm>> -> memref<32768xf32, #tpu.memory_space<hbm>>
        tpu.enqueue_dma source(%dma_start3A_82 : memref<32768xf32, #tpu.memory_space<hbm>>) target(%arg6 : memref<32768xf32, #tpu.memory_space<vmem>>) target_semaphore(%arg12 : memref<!tpu.dma_semaphore, #tpu.memory_space<semaphore_mem>>)
      } else {
      }
      %parallel_loop3A = arith.constant 0 : i32
      %parallel_loop3A_52 = arith.constant 2048 : i32
      %parallel_loop3A_53 = arith.constant 1 : i32
      scf.for %parallel_loop3A_74 = %parallel_loop3A to %parallel_loop3A_52 step %parallel_loop3A_53  : i32 {
        %parallel_loop3A_75 = arith.constant 16 : i32
        %parallel_loop3A_76 = arith.muli %parallel_loop3A_74, %parallel_loop3A_75 : i32
        %parallel_loop3A_77 = arith.index_cast %parallel_loop3A_76 : i32 to index
        %parallel_loop3A_78 = tpu.vector_load %arg5[%parallel_loop3A_77] {strides = array<i32>} : memref<32768xf32, #tpu.memory_space<vmem>>, vector<16xf32>,
        %parallel_loop3A_79 = arith.mulf %parallel_loop3A_78, %get3A_3 : vector<16xf32>
        %parallel_loop3A_80 = arith.addf %parallel_loop3A_79, %get3A_5 : vector<16xf32>
        %parallel_loop3A_81 = arith.fptosi %parallel_loop3A_80 : vector<16xf32> to vector<16xi32>
        %parallel_loop3A_82 = arith.constant 2047 : i32
        %parallel_loop3A_83 = vector.broadcast %parallel_loop3A_82 : i32 to vector<16xi32>
        %parallel_loop3A_84 = arith.minsi %parallel_loop3A_81, %parallel_loop3A_83 : vector<16xi32>
        %parallel_loop3A_85 = arith.addi %parallel_loop3A_84, %mul3A_8 : vector<16xi32>
        tpu.vector_store_idx %arg7[%parallel_loop3A_85], %broadcast_in_dim3A_9 {add = true} : memref<33040xf32, #tpu.memory_space<vmem>>[vector<16xi32>], vector<16xf32>,
      } {sc.loop_unroll_factor = 8 : i64, sc.parallel_access}
      %add3A_54 = arith.constant 1 : i32
      %add3A_55 = arith.addi %mul3A_40, %add3A_54 : i32
      %mul3A_56 = arith.constant 32768 : i32
      %mul3A_57 = arith.muli %add3A_55, %mul3A_56 : i32
      %add3A_58 = arith.addi %mul3A_2, %mul3A_57 : i32
      %dma_wait3A_59 = tpu.memref_slice %arg2[%add3A_58] : memref<33554432xf32, #tpu.memory_space<hbm>> -> memref<32768xf32, #tpu.memory_space<hbm>>
      %dma_wait3A_60 = tpu.memref_slice %arg2[%add3A_58] : memref<33554432xf32, #tpu.memory_space<hbm>> -> memref<32768xf32, #tpu.memory_space<hbm>>
      tpu.wait_dma2 semaphore(%arg12 : memref<!tpu.dma_semaphore, #tpu.memory_space<semaphore_mem>>) src(%dma_wait3A_60 : memref<32768xf32, #tpu.memory_space<hbm>>) dst(%arg6 : memref<32768xf32, #tpu.memory_space<vmem>>)
      %add3A_61 = arith.constant 2 : i32
      %add3A_62 = arith.addi %add3A_55, %add3A_61 : i32
      %sub3A_63 = arith.constant 1 : i32
      %sub3A_64 = arith.subi %add3A_62, %sub3A_63 : i32
      %lt3A_65 = arith.constant 32 : i32
      %lt3A_66 = arith.cmpi slt, %sub3A_64, %lt3A_65 : i32
      %convert_element_type3A_67 = arith.extui %lt3A_66 : i1 to i32
      %cond3A_68 = arith.constant 0 : i32
      %cond3A_69 = arith.cmpi ne, %convert_element_type3A_67, %cond3A_68 : i32
      scf.if %cond3A_69 {
        %add3A_74 = arith.constant 2 : i32
        %add3A_75 = arith.addi %add3A_55, %add3A_74 : i32
        %sub3A_76 = arith.constant 1 : i32
        %sub3A_77 = arith.subi %add3A_75, %sub3A_76 : i32
        %mul3A_78 = arith.constant 32768 : i32
        %mul3A_79 = arith.muli %sub3A_77, %mul3A_78 : i32
        %add3A_80 = arith.addi %mul3A_2, %mul3A_79 : i32
        %dma_start3A_81 = tpu.memref_slice %arg2[%add3A_80] : memref<33554432xf32, #tpu.memory_space<hbm>> -> memref<32768xf32, #tpu.memory_space<hbm>>
        %dma_start3A_82 = tpu.memref_slice %arg2[%add3A_80] : memref<33554432xf32, #tpu.memory_space<hbm>> -> memref<32768xf32, #tpu.memory_space<hbm>>
        tpu.enqueue_dma source(%dma_start3A_82 : memref<32768xf32, #tpu.memory_space<hbm>>) target(%arg5 : memref<32768xf32, #tpu.memory_space<vmem>>) target_semaphore(%arg11 : memref<!tpu.dma_semaphore, #tpu.memory_space<semaphore_mem>>)
      } else {
      }
      %parallel_loop3A_70 = arith.constant 0 : i32
      %parallel_loop3A_71 = arith.constant 2048 : i32
      %parallel_loop3A_72 = arith.constant 1 : i32
      scf.for %parallel_loop3A_74 = %parallel_loop3A_70 to %parallel_loop3A_71 step %parallel_loop3A_72  : i32 {
        %parallel_loop3A_75 = arith.constant 16 : i32
        %parallel_loop3A_76 = arith.muli %parallel_loop3A_74, %parallel_loop3A_75 : i32
        %parallel_loop3A_77 = arith.index_cast %parallel_loop3A_76 : i32 to index
        %parallel_loop3A_78 = tpu.vector_load %arg6[%parallel_loop3A_77] {strides = array<i32>} : memref<32768xf32, #tpu.memory_space<vmem>>, vector<16xf32>,
        %parallel_loop3A_79 = arith.mulf %parallel_loop3A_78, %get3A_3 : vector<16xf32>
        %parallel_loop3A_80 = arith.addf %parallel_loop3A_79, %get3A_5 : vector<16xf32>
        %parallel_loop3A_81 = arith.fptosi %parallel_loop3A_80 : vector<16xf32> to vector<16xi32>
        %parallel_loop3A_82 = arith.constant 2047 : i32
        %parallel_loop3A_83 = vector.broadcast %parallel_loop3A_82 : i32 to vector<16xi32>
        %parallel_loop3A_84 = arith.minsi %parallel_loop3A_81, %parallel_loop3A_83 : vector<16xi32>
        %parallel_loop3A_85 = arith.addi %parallel_loop3A_84, %mul3A_8 : vector<16xi32>
        tpu.vector_store_idx %arg7[%parallel_loop3A_85], %broadcast_in_dim3A_9 {add = true} : memref<33040xf32, #tpu.memory_space<vmem>>[vector<16xi32>], vector<16xf32>,
      } {sc.loop_unroll_factor = 8 : i64, sc.parallel_access}
      %scan3A_73 = arith.constant 0 : i32
      scf.yield %scan3A_73 : i32
    }
    %scan3A_27 = arith.constant 16 : i32
    %scan3A_28 = arith.constant 0 : i32
    %scan3A_29 = arith.constant 0 : i32
    %scan3A_30 = arith.constant 128 : i32
    %scan3A_31 = arith.addi %scan3A_29, %scan3A_30 : i32
    %scan3A_32 = arith.constant 1 : i32
    %scan3A_33 = scf.for %scan3A_37 = %scan3A_29 to %scan3A_31 step %scan3A_32 iter_args(%scan3A_38 = %scan3A_28) -> (i32)  : i32 {
      %mul3A_39 = arith.constant 16 : i32
      %mul3A_40 = arith.muli %scan3A_37, %mul3A_39 : i32
      %get3A_41 = arith.index_cast %mul3A_40 : i32 to index
      %get3A_42 = tpu.vector_load %arg7[%get3A_41] {strides = array<i32>} : memref<33040xf32, #tpu.memory_space<vmem>>, vector<16xf32>,
      %mul3A_43 = arith.constant 16 : i32
      %mul3A_44 = arith.muli %scan3A_37, %mul3A_43 : i32
      %add3A_45 = arith.constant 2065 : i32
      %add3A_46 = arith.addi %add3A_45, %mul3A_44 : i32
      %get3A_47 = arith.index_cast %add3A_46 : i32 to index
      %get3A_48 = tpu.vector_load %arg7[%get3A_47] {strides = array<i32>} : memref<33040xf32, #tpu.memory_space<vmem>>, vector<16xf32>,
      %add3A_49 = arith.addf %get3A_42, %get3A_48 : vector<16xf32>
      %mul3A_50 = arith.constant 16 : i32
      %mul3A_51 = arith.muli %scan3A_37, %mul3A_50 : i32
      %add3A_52 = arith.constant 4130 : i32
      %add3A_53 = arith.addi %add3A_52, %mul3A_51 : i32
      %get3A_54 = arith.index_cast %add3A_53 : i32 to index
      %get3A_55 = tpu.vector_load %arg7[%get3A_54] {strides = array<i32>} : memref<33040xf32, #tpu.memory_space<vmem>>, vector<16xf32>,
      %add3A_56 = arith.addf %add3A_49, %get3A_55 : vector<16xf32>
      %mul3A_57 = arith.constant 16 : i32
      %mul3A_58 = arith.muli %scan3A_37, %mul3A_57 : i32
      %add3A_59 = arith.constant 6195 : i32
      %add3A_60 = arith.addi %add3A_59, %mul3A_58 : i32
      %get3A_61 = arith.index_cast %add3A_60 : i32 to index
      %get3A_62 = tpu.vector_load %arg7[%get3A_61] {strides = array<i32>} : memref<33040xf32, #tpu.memory_space<vmem>>, vector<16xf32>,
      %add3A_63 = arith.addf %add3A_56, %get3A_62 : vector<16xf32>
      %mul3A_64 = arith.constant 16 : i32
      %mul3A_65 = arith.muli %scan3A_37, %mul3A_64 : i32
      %add3A_66 = arith.constant 8260 : i32
      %add3A_67 = arith.addi %add3A_66, %mul3A_65 : i32
      %get3A_68 = arith.index_cast %add3A_67 : i32 to index
      %get3A_69 = tpu.vector_load %arg7[%get3A_68] {strides = array<i32>} : memref<33040xf32, #tpu.memory_space<vmem>>, vector<16xf32>,
      %add3A_70 = arith.addf %add3A_63, %get3A_69 : vector<16xf32>
      %mul3A_71 = arith.constant 16 : i32
      %mul3A_72 = arith.muli %scan3A_37, %mul3A_71 : i32
      %add3A_73 = arith.constant 10325 : i32
      %add3A_74 = arith.addi %add3A_73, %mul3A_72 : i32
      %get3A_75 = arith.index_cast %add3A_74 : i32 to index
      %get3A_76 = tpu.vector_load %arg7[%get3A_75] {strides = array<i32>} : memref<33040xf32, #tpu.memory_space<vmem>>, vector<16xf32>,
      %add3A_77 = arith.addf %add3A_70, %get3A_76 : vector<16xf32>
      %mul3A_78 = arith.constant 16 : i32
      %mul3A_79 = arith.muli %scan3A_37, %mul3A_78 : i32
      %add3A_80 = arith.constant 12390 : i32
      %add3A_81 = arith.addi %add3A_80, %mul3A_79 : i32
      %get3A_82 = arith.index_cast %add3A_81 : i32 to index
      %get3A_83 = tpu.vector_load %arg7[%get3A_82] {strides = array<i32>} : memref<33040xf32, #tpu.memory_space<vmem>>, vector<16xf32>,
      %add3A_84 = arith.addf %add3A_77, %get3A_83 : vector<16xf32>
      %mul3A_85 = arith.constant 16 : i32
      %mul3A_86 = arith.muli %scan3A_37, %mul3A_85 : i32
      %add3A_87 = arith.constant 14455 : i32
      %add3A_88 = arith.addi %add3A_87, %mul3A_86 : i32
      %get3A_89 = arith.index_cast %add3A_88 : i32 to index
      %get3A_90 = tpu.vector_load %arg7[%get3A_89] {strides = array<i32>} : memref<33040xf32, #tpu.memory_space<vmem>>, vector<16xf32>,
      %add3A_91 = arith.addf %add3A_84, %get3A_90 : vector<16xf32>
      %mul3A_92 = arith.constant 16 : i32
      %mul3A_93 = arith.muli %scan3A_37, %mul3A_92 : i32
      %add3A_94 = arith.constant 16520 : i32
      %add3A_95 = arith.addi %add3A_94, %mul3A_93 : i32
      %get3A_96 = arith.index_cast %add3A_95 : i32 to index
      %get3A_97 = tpu.vector_load %arg7[%get3A_96] {strides = array<i32>} : memref<33040xf32, #tpu.memory_space<vmem>>, vector<16xf32>,
      %add3A_98 = arith.addf %add3A_91, %get3A_97 : vector<16xf32>
      %mul3A_99 = arith.constant 16 : i32
      %mul3A_100 = arith.muli %scan3A_37, %mul3A_99 : i32
      %add3A_101 = arith.constant 18585 : i32
      %add3A_102 = arith.addi %add3A_101, %mul3A_100 : i32
      %get3A_103 = arith.index_cast %add3A_102 : i32 to index
      %get3A_104 = tpu.vector_load %arg7[%get3A_103] {strides = array<i32>} : memref<33040xf32, #tpu.memory_space<vmem>>, vector<16xf32>,
      %add3A_105 = arith.addf %add3A_98, %get3A_104 : vector<16xf32>
      %mul3A_106 = arith.constant 16 : i32
      %mul3A_107 = arith.muli %scan3A_37, %mul3A_106 : i32
      %add3A_108 = arith.constant 20650 : i32
      %add3A_109 = arith.addi %add3A_108, %mul3A_107 : i32
      %get3A_110 = arith.index_cast %add3A_109 : i32 to index
      %get3A_111 = tpu.vector_load %arg7[%get3A_110] {strides = array<i32>} : memref<33040xf32, #tpu.memory_space<vmem>>, vector<16xf32>,
      %add3A_112 = arith.addf %add3A_105, %get3A_111 : vector<16xf32>
      %mul3A_113 = arith.constant 16 : i32
      %mul3A_114 = arith.muli %scan3A_37, %mul3A_113 : i32
      %add3A_115 = arith.constant 22715 : i32
      %add3A_116 = arith.addi %add3A_115, %mul3A_114 : i32
      %get3A_117 = arith.index_cast %add3A_116 : i32 to index
      %get3A_118 = tpu.vector_load %arg7[%get3A_117] {strides = array<i32>} : memref<33040xf32, #tpu.memory_space<vmem>>, vector<16xf32>,
      %add3A_119 = arith.addf %add3A_112, %get3A_118 : vector<16xf32>
      %mul3A_120 = arith.constant 16 : i32
      %mul3A_121 = arith.muli %scan3A_37, %mul3A_120 : i32
      %add3A_122 = arith.constant 24780 : i32
      %add3A_123 = arith.addi %add3A_122, %mul3A_121 : i32
      %get3A_124 = arith.index_cast %add3A_123 : i32 to index
      %get3A_125 = tpu.vector_load %arg7[%get3A_124] {strides = array<i32>} : memref<33040xf32, #tpu.memory_space<vmem>>, vector<16xf32>,
      %add3A_126 = arith.addf %add3A_119, %get3A_125 : vector<16xf32>
      %mul3A_127 = arith.constant 16 : i32
      %mul3A_128 = arith.muli %scan3A_37, %mul3A_127 : i32
      %add3A_129 = arith.constant 26845 : i32
      %add3A_130 = arith.addi %add3A_129, %mul3A_128 : i32
      %get3A_131 = arith.index_cast %add3A_130 : i32 to index
      %get3A_132 = tpu.vector_load %arg7[%get3A_131] {strides = array<i32>} : memref<33040xf32, #tpu.memory_space<vmem>>, vector<16xf32>,
      %add3A_133 = arith.addf %add3A_126, %get3A_132 : vector<16xf32>
      %mul3A_134 = arith.constant 16 : i32
      %mul3A_135 = arith.muli %scan3A_37, %mul3A_134 : i32
      %add3A_136 = arith.constant 28910 : i32
      %add3A_137 = arith.addi %add3A_136, %mul3A_135 : i32
      %get3A_138 = arith.index_cast %add3A_137 : i32 to index
      %get3A_139 = tpu.vector_load %arg7[%get3A_138] {strides = array<i32>} : memref<33040xf32, #tpu.memory_space<vmem>>, vector<16xf32>,
      %add3A_140 = arith.addf %add3A_133, %get3A_139 : vector<16xf32>
      %mul3A_141 = arith.constant 16 : i32
      %mul3A_142 = arith.muli %scan3A_37, %mul3A_141 : i32
      %add3A_143 = arith.constant 30975 : i32
      %add3A_144 = arith.addi %add3A_143, %mul3A_142 : i32
      %get3A_145 = arith.index_cast %add3A_144 : i32 to index
      %get3A_146 = tpu.vector_load %arg7[%get3A_145] {strides = array<i32>} : memref<33040xf32, #tpu.memory_space<vmem>>, vector<16xf32>,
      %add3A_147 = arith.addf %add3A_140, %get3A_146 : vector<16xf32>
      %mul3A_148 = arith.constant 16 : i32
      %mul3A_149 = arith.muli %scan3A_37, %mul3A_148 : i32
      %swap3A = arith.index_cast %mul3A_149 : i32 to index
      %swap3A_150 = tpu.vector_load %arg8[%swap3A] {strides = array<i32>} : memref<2048xf32, #tpu.memory_space<vmem>>, vector<16xf32>,
      tpu.vector_store %arg8[%swap3A], %add3A_147 {strides = array<i32>} : memref<2048xf32, #tpu.memory_space<vmem>>, vector<16xf32>,
      %scan3A_151 = arith.constant 0 : i32
      scf.yield %scan3A_151 : i32
    }
    %scan3A_34 = arith.constant 128 : i32
    %mul3A_35 = arith.constant 2048 : i32
    %mul3A_36 = arith.muli %add3A, %mul3A_35 : i32
    "tpu.region"() ({
      %run_scoped3A = tpu.sem_alloc : memref<!tpu.dma_semaphore, #tpu.memory_space<semaphore_mem>>
      %dma_start3A_37 = tpu.memref_slice %arg4[%mul3A_36] : memref<65536xf32, #tpu.memory_space<hbm>> -> memref<2048xf32, #tpu.memory_space<hbm>>
      %dma_start3A_38 = tpu.memref_slice %arg4[%mul3A_36] : memref<65536xf32, #tpu.memory_space<hbm>> -> memref<2048xf32, #tpu.memory_space<hbm>>
      tpu.enqueue_dma source(%arg8 : memref<2048xf32, #tpu.memory_space<vmem>>) target(%dma_start3A_38 : memref<2048xf32, #tpu.memory_space<hbm>>) target_semaphore(%run_scoped3A : memref<!tpu.dma_semaphore, #tpu.memory_space<semaphore_mem>>)
      %dma_wait3A = tpu.memref_slice %arg4[%mul3A_36] : memref<65536xf32, #tpu.memory_space<hbm>> -> memref<2048xf32, #tpu.memory_space<hbm>>
      %dma_wait3A_39 = tpu.memref_slice %arg4[%mul3A_36] : memref<65536xf32, #tpu.memory_space<hbm>> -> memref<2048xf32, #tpu.memory_space<hbm>>
      tpu.wait_dma2 semaphore(%run_scoped3A : memref<!tpu.dma_semaphore, #tpu.memory_space<semaphore_mem>>) src(%arg8 : memref<2048xf32, #tpu.memory_space<vmem>>) dst(%dma_wait3A_39 : memref<2048xf32, #tpu.memory_space<hbm>>)
      tpu.yield
    }) : () -> ()
    return
  }
}

module attributes {stable_mosaic.version = 14 : i64} {
  func.func @_mm_body(%arg0: i32, %arg1: memref<32768x128xf32, #tpu.memory_space<vmem>>, %arg2: memref<1x1xf32, #tpu.memory_space<smem>>, %arg3: memref<1x1xf32, #tpu.memory_space<smem>>) attributes {dimension_semantics = [#tpu.dimension_semantics<arbitrary>], iteration_bounds = array<i64: 8>, scalar_prefetch = 0 : i64, scratch_operands = 0 : i64, tpu.core_type = #tpu.core_type<tc>, window_params = [{transform_indices = @transform_0, window_bounds = array<i64: 32768, 128>}, {transform_indices = @transform_1, window_bounds = array<i64: 1, 1>}, {transform_indices = @transform_2, window_bounds = array<i64: 1, 1>}]} {
    %get3A = arith.constant 0 : index
    %get3A_0 = arith.constant 0 : index
    %get3A_1 = vector.load %arg1[%get3A, %get3A_0] : memref<32768x128xf32, #tpu.memory_space<vmem>>, vector<32768x128xf32>
    %reduce_min3A = vector.shape_cast %get3A_1 : vector<32768x128xf32> to vector<1x32768x128xf32>
    %reduce_min3A_2 = arith.constant dense<0x7F800000> : vector<1xf32>
    %reduce_min3A_3 = vector.multi_reduction <minimumf>, %reduce_min3A, %reduce_min3A_2 [1, 2] : vector<1x32768x128xf32> to vector<1xf32>
    %reduce_min3A_4 = vector.shape_cast %reduce_min3A_3 : vector<1xf32> to vector<1x1x1xf32>
    %reduce_min3A_5 = vector.extract %reduce_min3A_4[0, 0, 0] : f32 from vector<1x1x1xf32>
    %get3A_6 = arith.constant 0 : index
    %get3A_7 = arith.constant 0 : index
    %get3A_8 = vector.load %arg1[%get3A_6, %get3A_7] : memref<32768x128xf32, #tpu.memory_space<vmem>>, vector<32768x128xf32>
    %reduce_max3A = vector.shape_cast %get3A_8 : vector<32768x128xf32> to vector<1x32768x128xf32>
    %reduce_max3A_9 = arith.constant dense<0xFF800000> : vector<1xf32>
    %reduce_max3A_10 = vector.multi_reduction <maximumf>, %reduce_max3A, %reduce_max3A_9 [1, 2] : vector<1x32768x128xf32> to vector<1xf32>
    %reduce_max3A_11 = vector.shape_cast %reduce_max3A_10 : vector<1xf32> to vector<1x1x1xf32>
    %reduce_max3A_12 = vector.extract %reduce_max3A_11[0, 0, 0] : f32 from vector<1x1x1xf32>
    %eq3A = arith.constant 0 : i32
    %eq3A_13 = arith.cmpi eq, %arg0, %eq3A : i32
    %convert_element_type3A = arith.extui %eq3A_13 : i1 to i32
    %cond3A = arith.constant 0 : i32
    %cond3A_14 = arith.cmpi ne, %convert_element_type3A, %cond3A : i32
    scf.if %cond3A_14 {
      %swap3A = arith.constant 0 : index
      %swap3A_19 = arith.constant 0 : index
      %swap3A_20 = memref.load %arg2[%swap3A, %swap3A_19] : memref<1x1xf32, #tpu.memory_space<smem>>
      memref.store %reduce_min3A_5, %arg2[%swap3A, %swap3A_19] : memref<1x1xf32, #tpu.memory_space<smem>>
      %swap3A_21 = arith.constant 0 : index
      %swap3A_22 = arith.constant 0 : index
      %swap3A_23 = memref.load %arg3[%swap3A_21, %swap3A_22] : memref<1x1xf32, #tpu.memory_space<smem>>
      memref.store %reduce_max3A_12, %arg3[%swap3A_21, %swap3A_22] : memref<1x1xf32, #tpu.memory_space<smem>>
    } else {
    }
    %ne3A = arith.constant 0 : i32
    %ne3A_15 = arith.cmpi ne, %arg0, %ne3A : i32
    %convert_element_type3A_16 = arith.extui %ne3A_15 : i1 to i32
    %cond3A_17 = arith.constant 0 : i32
    %cond3A_18 = arith.cmpi ne, %convert_element_type3A_16, %cond3A_17 : i32
    scf.if %cond3A_18 {
      %get3A_19 = arith.constant 0 : index
      %get3A_20 = arith.constant 0 : index
      %get3A_21 = memref.load %arg2[%get3A_19, %get3A_20] : memref<1x1xf32, #tpu.memory_space<smem>>
      %min3A = arith.minimumf %get3A_21, %reduce_min3A_5 : f32
      %swap3A = arith.constant 0 : index
      %swap3A_22 = arith.constant 0 : index
      %swap3A_23 = memref.load %arg2[%swap3A, %swap3A_22] : memref<1x1xf32, #tpu.memory_space<smem>>
      memref.store %min3A, %arg2[%swap3A, %swap3A_22] : memref<1x1xf32, #tpu.memory_space<smem>>
      %get3A_24 = arith.constant 0 : index
      %get3A_25 = arith.constant 0 : index
      %get3A_26 = memref.load %arg3[%get3A_24, %get3A_25] : memref<1x1xf32, #tpu.memory_space<smem>>
      %max3A = arith.maximumf %get3A_26, %reduce_max3A_12 : f32
      %swap3A_27 = arith.constant 0 : index
      %swap3A_28 = arith.constant 0 : index
      %swap3A_29 = memref.load %arg3[%swap3A_27, %swap3A_28] : memref<1x1xf32, #tpu.memory_space<smem>>
      memref.store %max3A, %arg3[%swap3A_27, %swap3A_28] : memref<1x1xf32, #tpu.memory_space<smem>>
    } else {
    }
    return
  }
  func.func @transform_0(%arg0: i32) -> (i32, i32) {
    %c0_i32 = arith.constant 0 : i32
    %c0_i32_0 = arith.constant 0 : i32
    return %arg0, %c0_i32 : i32, i32
  }
  func.func @transform_1(%arg0: i32) -> (i32, i32) {
    %c0_i32 = arith.constant 0 : i32
    %c0_i32_0 = arith.constant 0 : i32
    %c0_i32_1 = arith.constant 0 : i32
    return %c0_i32, %c0_i32_0 : i32, i32
  }
  func.func @transform_2(%arg0: i32) -> (i32, i32) {
    %c0_i32 = arith.constant 0 : i32
    %c0_i32_0 = arith.constant 0 : i32
    %c0_i32_1 = arith.constant 0 : i32
    return %c0_i32, %c0_i32_0 : i32, i32
  }
}

module attributes {stable_mosaic.version = 14 : i64} {
  func.func @_fq_body(%arg0: i32, %arg1: memref<1x3xf32, #tpu.memory_space<smem>>, %arg2: memref<1048576xf32, #tpu.memory_space<vmem>>, %arg3: memref<1048576xf32, #tpu.memory_space<vmem>>) attributes {dimension_semantics = [#tpu.dimension_semantics<arbitrary>], iteration_bounds = array<i64: 32>, scalar_prefetch = 0 : i64, scratch_operands = 0 : i64, tpu.core_type = #tpu.core_type<tc>, window_params = [{transform_indices = @transform_0, window_bounds = array<i64: 1, 3>}, {transform_indices = @transform_1, window_bounds = array<i64: 1048576>}, {transform_indices = @transform_2, window_bounds = array<i64: 1048576>}]} {
    %get3A = arith.constant 0 : index
    %get3A_0 = arith.constant 0 : index
    %get3A_1 = memref.load %arg1[%get3A, %get3A_0] : memref<1x3xf32, #tpu.memory_space<smem>>
    %get3A_2 = arith.constant 0 : index
    %get3A_3 = arith.constant 1 : index
    %get3A_4 = memref.load %arg1[%get3A_2, %get3A_3] : memref<1x3xf32, #tpu.memory_space<smem>>
    %get3A_5 = arith.constant 0 : index
    %get3A_6 = arith.constant 2 : index
    %get3A_7 = memref.load %arg1[%get3A_5, %get3A_6] : memref<1x3xf32, #tpu.memory_space<smem>>
    %get3A_8 = arith.constant 0 : index
    %get3A_9 = vector.load %arg2[%get3A_8] : memref<1048576xf32, #tpu.memory_space<vmem>>, vector<1048576xf32>
    %mul3A = vector.broadcast %get3A_4 : f32 to vector<1048576xf32>
    %mul3A_10 = arith.mulf %get3A_9, %mul3A : vector<1048576xf32>
    %round3A = math.roundeven %mul3A_10 : vector<1048576xf32>
    %add3A = vector.broadcast %get3A_7 : f32 to vector<1048576xf32>
    %add3A_11 = arith.addf %round3A, %add3A : vector<1048576xf32>
    %jit3A = arith.constant 0.000000e+00 : f32
    %jit3A_12 = arith.constant 2.550000e+02 : f32
    %max3A = vector.broadcast %jit3A : f32 to vector<1048576xf32>
    %max3A_13 = arith.maximumf %max3A, %add3A_11 : vector<1048576xf32>
    %min3A = vector.broadcast %jit3A_12 : f32 to vector<1048576xf32>
    %min3A_14 = arith.minimumf %min3A, %max3A_13 : vector<1048576xf32>
    %sub3A = vector.broadcast %get3A_7 : f32 to vector<1048576xf32>
    %sub3A_15 = arith.subf %min3A_14, %sub3A : vector<1048576xf32>
    %mul3A_16 = vector.broadcast %get3A_1 : f32 to vector<1048576xf32>
    %mul3A_17 = arith.mulf %sub3A_15, %mul3A_16 : vector<1048576xf32>
    %swap3A = arith.constant 0 : index
    %swap3A_18 = vector.load %arg3[%swap3A] : memref<1048576xf32, #tpu.memory_space<vmem>>, vector<1048576xf32>
    tpu.vector_store %arg3[%swap3A], %mul3A_17 {strides = array<i32>} : memref<1048576xf32, #tpu.memory_space<vmem>>, vector<1048576xf32>,
    return
  }
  func.func @transform_0(%arg0: i32) -> (i32, i32) {
    %c0_i32 = arith.constant 0 : i32
    %c0_i32_0 = arith.constant 0 : i32
    %c0_i32_1 = arith.constant 0 : i32
    return %c0_i32, %c0_i32_0 : i32, i32
  }
  func.func @transform_1(%arg0: i32) -> i32 {
    %c0_i32 = arith.constant 0 : i32
    return %arg0 : i32
  }
  func.func @transform_2(%arg0: i32) -> i32 {
    %c0_i32 = arith.constant 0 : i32
    return %arg0 : i32
  }
}

module attributes {stable_mosaic.version = 14 : i64} {
  func.func @_hsum_body(%arg0: memref<65536xf32, #tpu.memory_space<vmem>>, %arg1: memref<2048xf32, #tpu.memory_space<vmem>>) attributes {dimension_semantics = [], scalar_prefetch = 0 : i64, scratch_operands = 0 : i64, tpu.core_type = #tpu.core_type<tc>} {
    %get3A = arith.constant 0 : index
    %get3A_0 = vector.load %arg0[%get3A] : memref<65536xf32, #tpu.memory_space<vmem>>, vector<2048xf32>
    %get3A_1 = arith.constant 2048 : index
    %get3A_2 = vector.load %arg0[%get3A_1] : memref<65536xf32, #tpu.memory_space<vmem>>, vector<2048xf32>
    %add3A = arith.addf %get3A_0, %get3A_2 : vector<2048xf32>
    %get3A_3 = arith.constant 4096 : index
    %get3A_4 = vector.load %arg0[%get3A_3] : memref<65536xf32, #tpu.memory_space<vmem>>, vector<2048xf32>
    %add3A_5 = arith.addf %add3A, %get3A_4 : vector<2048xf32>
    %get3A_6 = arith.constant 6144 : index
    %get3A_7 = vector.load %arg0[%get3A_6] : memref<65536xf32, #tpu.memory_space<vmem>>, vector<2048xf32>
    %add3A_8 = arith.addf %add3A_5, %get3A_7 : vector<2048xf32>
    %get3A_9 = arith.constant 8192 : index
    %get3A_10 = vector.load %arg0[%get3A_9] : memref<65536xf32, #tpu.memory_space<vmem>>, vector<2048xf32>
    %add3A_11 = arith.addf %add3A_8, %get3A_10 : vector<2048xf32>
    %get3A_12 = arith.constant 10240 : index
    %get3A_13 = vector.load %arg0[%get3A_12] : memref<65536xf32, #tpu.memory_space<vmem>>, vector<2048xf32>
    %add3A_14 = arith.addf %add3A_11, %get3A_13 : vector<2048xf32>
    %get3A_15 = arith.constant 12288 : index
    %get3A_16 = vector.load %arg0[%get3A_15] : memref<65536xf32, #tpu.memory_space<vmem>>, vector<2048xf32>
    %add3A_17 = arith.addf %add3A_14, %get3A_16 : vector<2048xf32>
    %get3A_18 = arith.constant 14336 : index
    %get3A_19 = vector.load %arg0[%get3A_18] : memref<65536xf32, #tpu.memory_space<vmem>>, vector<2048xf32>
    %add3A_20 = arith.addf %add3A_17, %get3A_19 : vector<2048xf32>
    %get3A_21 = arith.constant 16384 : index
    %get3A_22 = vector.load %arg0[%get3A_21] : memref<65536xf32, #tpu.memory_space<vmem>>, vector<2048xf32>
    %add3A_23 = arith.addf %add3A_20, %get3A_22 : vector<2048xf32>
    %get3A_24 = arith.constant 18432 : index
    %get3A_25 = vector.load %arg0[%get3A_24] : memref<65536xf32, #tpu.memory_space<vmem>>, vector<2048xf32>
    %add3A_26 = arith.addf %add3A_23, %get3A_25 : vector<2048xf32>
    %get3A_27 = arith.constant 20480 : index
    %get3A_28 = vector.load %arg0[%get3A_27] : memref<65536xf32, #tpu.memory_space<vmem>>, vector<2048xf32>
    %add3A_29 = arith.addf %add3A_26, %get3A_28 : vector<2048xf32>
    %get3A_30 = arith.constant 22528 : index
    %get3A_31 = vector.load %arg0[%get3A_30] : memref<65536xf32, #tpu.memory_space<vmem>>, vector<2048xf32>
    %add3A_32 = arith.addf %add3A_29, %get3A_31 : vector<2048xf32>
    %get3A_33 = arith.constant 24576 : index
    %get3A_34 = vector.load %arg0[%get3A_33] : memref<65536xf32, #tpu.memory_space<vmem>>, vector<2048xf32>
    %add3A_35 = arith.addf %add3A_32, %get3A_34 : vector<2048xf32>
    %get3A_36 = arith.constant 26624 : index
    %get3A_37 = vector.load %arg0[%get3A_36] : memref<65536xf32, #tpu.memory_space<vmem>>, vector<2048xf32>
    %add3A_38 = arith.addf %add3A_35, %get3A_37 : vector<2048xf32>
    %get3A_39 = arith.constant 28672 : index
    %get3A_40 = vector.load %arg0[%get3A_39] : memref<65536xf32, #tpu.memory_space<vmem>>, vector<2048xf32>
    %add3A_41 = arith.addf %add3A_38, %get3A_40 : vector<2048xf32>
    %get3A_42 = arith.constant 30720 : index
    %get3A_43 = vector.load %arg0[%get3A_42] : memref<65536xf32, #tpu.memory_space<vmem>>, vector<2048xf32>
    %add3A_44 = arith.addf %add3A_41, %get3A_43 : vector<2048xf32>
    %get3A_45 = arith.constant 32768 : index
    %get3A_46 = vector.load %arg0[%get3A_45] : memref<65536xf32, #tpu.memory_space<vmem>>, vector<2048xf32>
    %add3A_47 = arith.addf %add3A_44, %get3A_46 : vector<2048xf32>
    %get3A_48 = arith.constant 34816 : index
    %get3A_49 = vector.load %arg0[%get3A_48] : memref<65536xf32, #tpu.memory_space<vmem>>, vector<2048xf32>
    %add3A_50 = arith.addf %add3A_47, %get3A_49 : vector<2048xf32>
    %get3A_51 = arith.constant 36864 : index
    %get3A_52 = vector.load %arg0[%get3A_51] : memref<65536xf32, #tpu.memory_space<vmem>>, vector<2048xf32>
    %add3A_53 = arith.addf %add3A_50, %get3A_52 : vector<2048xf32>
    %get3A_54 = arith.constant 38912 : index
    %get3A_55 = vector.load %arg0[%get3A_54] : memref<65536xf32, #tpu.memory_space<vmem>>, vector<2048xf32>
    %add3A_56 = arith.addf %add3A_53, %get3A_55 : vector<2048xf32>
    %get3A_57 = arith.constant 40960 : index
    %get3A_58 = vector.load %arg0[%get3A_57] : memref<65536xf32, #tpu.memory_space<vmem>>, vector<2048xf32>
    %add3A_59 = arith.addf %add3A_56, %get3A_58 : vector<2048xf32>
    %get3A_60 = arith.constant 43008 : index
    %get3A_61 = vector.load %arg0[%get3A_60] : memref<65536xf32, #tpu.memory_space<vmem>>, vector<2048xf32>
    %add3A_62 = arith.addf %add3A_59, %get3A_61 : vector<2048xf32>
    %get3A_63 = arith.constant 45056 : index
    %get3A_64 = vector.load %arg0[%get3A_63] : memref<65536xf32, #tpu.memory_space<vmem>>, vector<2048xf32>
    %add3A_65 = arith.addf %add3A_62, %get3A_64 : vector<2048xf32>
    %get3A_66 = arith.constant 47104 : index
    %get3A_67 = vector.load %arg0[%get3A_66] : memref<65536xf32, #tpu.memory_space<vmem>>, vector<2048xf32>
    %add3A_68 = arith.addf %add3A_65, %get3A_67 : vector<2048xf32>
    %get3A_69 = arith.constant 49152 : index
    %get3A_70 = vector.load %arg0[%get3A_69] : memref<65536xf32, #tpu.memory_space<vmem>>, vector<2048xf32>
    %add3A_71 = arith.addf %add3A_68, %get3A_70 : vector<2048xf32>
    %get3A_72 = arith.constant 51200 : index
    %get3A_73 = vector.load %arg0[%get3A_72] : memref<65536xf32, #tpu.memory_space<vmem>>, vector<2048xf32>
    %add3A_74 = arith.addf %add3A_71, %get3A_73 : vector<2048xf32>
    %get3A_75 = arith.constant 53248 : index
    %get3A_76 = vector.load %arg0[%get3A_75] : memref<65536xf32, #tpu.memory_space<vmem>>, vector<2048xf32>
    %add3A_77 = arith.addf %add3A_74, %get3A_76 : vector<2048xf32>
    %get3A_78 = arith.constant 55296 : index
    %get3A_79 = vector.load %arg0[%get3A_78] : memref<65536xf32, #tpu.memory_space<vmem>>, vector<2048xf32>
    %add3A_80 = arith.addf %add3A_77, %get3A_79 : vector<2048xf32>
    %get3A_81 = arith.constant 57344 : index
    %get3A_82 = vector.load %arg0[%get3A_81] : memref<65536xf32, #tpu.memory_space<vmem>>, vector<2048xf32>
    %add3A_83 = arith.addf %add3A_80, %get3A_82 : vector<2048xf32>
    %get3A_84 = arith.constant 59392 : index
    %get3A_85 = vector.load %arg0[%get3A_84] : memref<65536xf32, #tpu.memory_space<vmem>>, vector<2048xf32>
    %add3A_86 = arith.addf %add3A_83, %get3A_85 : vector<2048xf32>
    %get3A_87 = arith.constant 61440 : index
    %get3A_88 = vector.load %arg0[%get3A_87] : memref<65536xf32, #tpu.memory_space<vmem>>, vector<2048xf32>
    %add3A_89 = arith.addf %add3A_86, %get3A_88 : vector<2048xf32>
    %get3A_90 = arith.constant 63488 : index
    %get3A_91 = vector.load %arg0[%get3A_90] : memref<65536xf32, #tpu.memory_space<vmem>>, vector<2048xf32>
    %add3A_92 = arith.addf %add3A_89, %get3A_91 : vector<2048xf32>
    %swap3A = arith.constant 0 : index
    %swap3A_93 = vector.load %arg1[%swap3A] : memref<2048xf32, #tpu.memory_space<vmem>>, vector<2048xf32>
    tpu.vector_store %arg1[%swap3A], %add3A_92 {strides = array<i32>} : memref<2048xf32, #tpu.memory_space<vmem>>, vector<2048xf32>,
    return
  }
}

</mosaic_0001>

<sc_bundles>
// kernel: kernel.6.cloned.1.call-start
scs
__scs_entry_jumppad:
0x0: {  	(pc) =	sbr.rel $0x88, $3  }
0x1: {  	(tag) =	ssettag $0x0;
	lr =	simm.s32 $0x1  }
0x2: {  	[smem:$0x3FA0] =	sst lr;
	_ =	strace $0xD0000000  }
0x3: {  	_ = 	snop  }
0x4: {  	_ = 	snop  }
0x5: {  	_ = 	snop  }
0x6: {  	_ = 	snop  }
0x7: {  	_ = 	snop  }
__scs_overlays_trampoline_lowered:
0x8: {  	[smem:$0x3FAF] =	sst s0  }
0x9: {  	[smem:$0x3FB0] =	sst s1  }
0xa: {  	[smem:$0x3FB1] =	sst s2  }
0xb: {  	[smem:$0x3FB2] =	sst s3  }
0xc: {  	[smem:$0x3FB3] =	sst s4  }
0xd: {  	[smem:$0x3FB4] =	sst s5  }
0xe: {  	[smem:$0x3FB5] =	sst s6  }
0xf: {  	[smem:$0x3FB6] =	sst s7  }
0x10: {  	[smem:$0x3FB7] =	sst s8  }
0x11: {  	[smem:$0x3FB8] =	sst s9;
	s0 =	simm.s32 @!p0 $0x0  }
0x12: {  	s1 =	sld [smem:$0x3F9E];
	s0 =	simm.s32 @p0 $0x1  }
0x13: {  	[smem:$0x3FB9] =	sst s0;
	s0 =	simm.s32 @!p1 $0x0  }
0x14: {  	s2 =	sld [smem:$0x3F9D];
	s0 =	simm.s32 @p1 $0x1  }
0x15: {  	[smem:$0x3FBA] =	sst s0;
	s0 =	simm.s32 @!p2 $0x0  }
0x16: {  	s3 =	sld [smem:$0x3FDB];
	s0 =	simm.s32 @p2 $0x1  }
0x17: {  	s4 =	simm.s32 $0x1BF5;
	[smem:$0x3FBC] =	sst s0  }
0x18: {  	s0 =	sld [smem:$0x3F9F];
	_ =	swait.ge [sflag:s4], $0x0  }
0x19: {  	s7 =	sld [smem:$0x3FA0]  }
0x1a: {  	s8 =	sadd.s32 $0xFFFFE003, lr  }
0x1b: {  	s9 =	sadd.s32 $0xFFFFFEF7, lr;
	s5 =	simm.s32 $0xFFFFFFFF;
	p2 =	slt.u32 s8, $0xFFFFF086  }
0x1c: {  	p1 =	slt.u32 s9, $0xF7A;
	s5 =	simm.s32 @!p2 $0x0  }
0x1d: {  	s5 =	simm.s32 @p1 $0x1;
	p0 =	seq.s32 s7, s2  }
0x1e: {  	s7 =	smul.u32 @!p0 $0xF7A, s2;
	p2 =	seq.s32 @!p0 s5, $0x0  }
0x1f: {  	s9 =	smul.u32 $0xF7A, s1;
	s8 =	simm.s32 @!p0 $0x1BF5;
	p2 =	por !p2, p0  }
0x20: {  	[sflag:s8] =	ssyncset.s32 @!p0 $0xFFFFF086;
	s6 =	sadd.s32 @!p0 s3, s7;
	s7 =	simm.s32 @!p0 $0x108  }
0x21: {  	s3 =	sadd.s32 s3, s9;
	s6 =	sadd.s32 @!p0 $0x88, s6;
	s7 =	simm.s32 @p2 $0x1082  }
0x22: {  	[simem:s7], [sflag:s8] =	dma.local @!p0 [hbm:s6], $0xF7A  }
0x23: {  	s9 =	sor.u32 $0xD0000000, s2;
	s6 =	simm.s32 $0x108;
	_ =	swait.ge @!p0 [sflag:s8], $0x0  }
0x24: {  	s3 =	sadd.s32 $0x88, s3;
	s6 =	simm.s32 @!p1 $0x1082;
	[sflag:s4] =	ssyncset.s32 $0xFFFFF086  }
0x25: {  	[simem:s6], [sflag:s4] =	dma.local [hbm:s3], $0xF7A  }
0x26: {  	[smem:$0x3FA0] =	sst s1;
	(tag) =	ssettag s2;
	_ =	strace s9  }
0x27: {  	s1 =	sld [smem:$0x3FB0]  }
0x28: {  	s2 =	sld [smem:$0x3FB1]  }
0x29: {  	s4 =	sld [smem:$0x3FB3]  }
0x2a: {  	p0 =	seq.s32 s5, $0x0;
	s5 =	sld [smem:$0x3FB4]  }
0x2b: {  	s6 =	sld [smem:$0x3FB5]  }
0x2c: {  	s7 =	sld [smem:$0x3FB6]  }
0x2d: {  	s3 =	simm.s32 $0x108;
	s8 =	sld [smem:$0x3FB7]  }
0x2e: {  	s3 =	simm.s32 @!p0 $0x1082;
	s9 =	sld [smem:$0x3FB8]  }
0x2f: {  	lr =	sadd.s32 s0, s3;
	s0 =	sld [smem:$0x3FAF]  }
0x30: {  	s3 =	sld [smem:$0x3FB2]  }
0x31: {  	[smem:$0x3FBB] =	sst s10  }
0x32: {  	s10 =	sld [smem:$0x3FB9];
	_ =	sdelay $0x3  }
0x33: {  	p0 =	seq.s32 s10, $0x1;
	s10 =	sld [smem:$0x3FBB];
	_ =	sdelay $0x3  }
0x34: {  	[smem:$0x3FBB] =	sst s10  }
0x35: {  	s10 =	sld [smem:$0x3FBA];
	_ =	sdelay $0x3  }
0x36: {  	p1 =	seq.s32 s10, $0x1;
	s10 =	sld [smem:$0x3FBB];
	_ =	sdelay $0x3  }
0x37: {  	[smem:$0x3FBB] =	sst s10  }
0x38: {  	s10 =	sld [smem:$0x3FBC]  }
0x39: {  	_ = 	snop;
	(pc) =	sbr.ind lr, $3  }
0x3a: {  	_ = 	snop  }
0x3b: {  	_ = 	snop  }
0x3c: {  	p2 =	seq.s32 s10, $0x1;
	s10 =	sld [smem:$0x3FBB]  }
0x3d: {  	_ =	shalt  }
0x3e: {  	_ =	shalt  }
0x3f: {  	_ =	shalt  }
0x40: {  	_ =	shalt  }
0x41: {  	_ =	shalt  }
0x42: {  	_ =	shalt  }
0x43: {  	_ =	shalt  }
0x44: {  	_ =	shalt  }
0x45: {  	_ =	shalt  }
0x46: {  	_ =	shalt  }
0x47: {  	_ =	shalt  }
0x48: {  	_ =	shalt  }
0x49: {  	_ =	shalt  }
0x4a: {  	_ =	shalt  }
0x4b: {  	_ =	shalt  }
0x4c: {  	_ =	shalt  }
0x4d: {  	_ =	shalt  }
0x4e: {  	_ =	shalt  }
0x4f: {  	_ =	shalt  }
0x50: {  	_ =	shalt  }
0x51: {  	_ =	shalt  }
0x52: {  	_ =	shalt  }
0x53: {  	_ =	shalt  }
0x54: {  	_ =	shalt  }
0x55: {  	_ =	shalt  }
0x56: {  	_ =	shalt  }
0x57: {  	_ =	shalt  }
0x58: {  	_ =	shalt  }
0x59: {  	_ =	shalt  }
0x5a: {  	_ =	shalt  }
0x5b: {  	_ =	shalt  }
0x5c: {  	_ =	shalt  }
0x5d: {  	_ =	shalt  }
0x5e: {  	_ =	shalt  }
0x5f: {  	_ =	shalt  }
0x60: {  	_ =	shalt  }
0x61: {  	_ =	shalt  }
0x62: {  	_ =	shalt  }
0x63: {  	_ =	shalt  }
0x64: {  	_ =	shalt  }
0x65: {  	_ =	shalt  }
0x66: {  	_ =	shalt  }
0x67: {  	_ =	shalt  }
0x68: {  	_ =	shalt  }
0x69: {  	_ =	shalt  }
0x6a: {  	_ =	shalt  }
0x6b: {  	_ =	shalt  }
0x6c: {  	_ =	shalt  }
0x6d: {  	_ =	shalt  }
0x6e: {  	_ =	shalt  }
0x6f: {  	_ =	shalt  }
0x70: {  	_ =	shalt  }
0x71: {  	_ =	shalt  }
0x72: {  	_ =	shalt  }
0x73: {  	_ =	shalt  }
0x74: {  	_ =	shalt  }
0x75: {  	_ =	shalt  }
0x76: {  	_ =	shalt  }
0x77: {  	_ =	shalt  }
0x78: {  	_ =	shalt  }
0x79: {  	_ =	shalt  }
0x7a: {  	_ =	shalt  }
0x7b: {  	_ =	shalt  }
0x7c: {  	_ =	shalt  }
0x7d: {  	_ =	shalt  }
0x7e: {  	_ =	shalt  }
0x7f: {  	_ =	shalt  }
0x80: {  	_ =	shalt  }
0x81: {  	_ =	shalt  }
0x82: {  	_ =	shalt  }
0x83: {  	_ =	shalt  }
0x84: {  	_ =	shalt  }
0x85: {  	_ =	shalt  }
0x86: {  	_ =	shalt  }
0x87: {  	_ =	shalt  }
.Lfunc_end0:
.L_simem_size_0:
called_computation_lowered:
.L_overlay_start_0:
0x88: {  	s2 =	sld [smem:$0x3FD9]  }
0x89: {  	s3 =	sld [smem:$0x3FFE];
	_ =	sdelay $0x1  }
0x8a: {  	s1 =	srdreg.scid  }
0x8b: {  	s0 =	sand.u32 $0x1, s1  }
0x8c: {  	s17 =	sshll.u32 s0, $0xA;
	s2 =	sadd.s32 s3, s2  }
0x8d: {  	s2 =	sadd.s32 s2, s17  }
0x8e: {  	[smem:$0x3FC7] =	sst s2  }
0x8f: {  	_ = 	snop  }
0x90: {  	s2 =	sld [smem:$0x3FC9];
	(tm) =	ssettm $0x1  }
0x91: {  	s18 =	sld [smem:$0x3FFB];
	_ =	sdelay $0x3  }
0x92: {  	_ =	strace s18  }
0x93: {  	s3 =	sld [smem:$0x3FFC];
	_ =	sdelay $0x3  }
0x94: {  	_ =	strace s3  }
0x95: {  	s3 =	sld [smem:$0x3FFD];
	_ =	sdelay $0x3  }
0x96: {  	_ =	strace s3  }
0x97: {  	_ =	strace $0x8FFFFFFF  }
0x98: {  	s19 =	sld [smem:$0x3FDB];
	_ =	sdelay $0x1  }
0x99: {  	s4 =	simm.s32 $_scs_section_size  }
0x9a: {  	s5 =	simm.s32 $_size__tile_overlayer_lowered;
	s6 =	simm.s32 $_tile_overlayer_lowered  }
0x9b: {  	s22 =	simm.s32 $0x1BFF;
	s21 =	sshll.u32 s6, $0x1;
	s3 =	sadd.s32 s4, s19  }
0x9c: {  	s7 =	simm.s32 $0x0;
	s20 =	sshll.u32 s5, $0x1;
	s5 =	sadd.s32 s21, s3  }
0x9d: {  	[timem:s7], [sflag:s22] =	dma.local [hbm:s5], s20  }
0x9e: {  	_ =	swait.ge [sflag:s22], s20  }
0x9f: {  	s4 =	ssub.s32 $0x0, s20;
	[sflag:s22] =	ssyncset.done $0x0  }
0xa0: {  	[sflag:s22] =	ssyncadd.s32 s4;
	_ =	sdelay $0x1  }
0xa1: {  	s23 =	simm.s32 $0x1B8B  }
0xa2: {  	_ =	swait.ge [sflag:s23], $0x1  }
0xa3: {  	[sflag:s23] =	ssyncset.done $0x0  }
0xa4: {  	s25 =	simm.s32 $0x1B8E;
	s24 =	sld [smem:$0x3FFE];
	[sflag:s23] =	ssyncadd.s32 $0xFFFFFFFF  }
0xa5: {  	s26 =	simm.s32 $execute0_lowered;
	[smem:$0x3FD2] =	sst s25  }
0xa6: {  	s5 =	sshll.u32 s26, $0x1;
	_ =	strace $0x80000046;
	[dreg:$0x1] =	wrdreg $0xFFFFFFFF  }
0xa7: {  	s28 =	simm.s32 $_size_execute0_lowered;
	s3 =	sadd.s32 s3, s5;
	[dreg:$0x0] =	wrdreg $0x0  }
0xa8: {  	s5 =	sshll.u32 s28, $0x1;
	[dreg:$0x2] =	wrdreg s3  }
0xa9: {  	[dreg:$0x3] =	wrdreg s5  }
0xaa: {  	[dreg:$0x4] =	wrdreg $0xC0  }
0xab: {  	_ =	task [dreg:s7], $0x5FFFF  }
0xac: {  	[dreg:$0x1] =	wrdreg $0xFFFFFFFF  }
0xad: {  	[dreg:$0x0] =	wrdreg $0x60  }
0xae: {  	[dreg:$0x2] =	wrdreg s2  }
0xaf: {  	[dreg:$0x3] =	wrdreg s24  }
0xb0: {  	[dreg:$0x4] =	wrdreg $0x9  }
0xb1: {  	_ =	task.clear_ibuf [dreg:s7], $0x5FFFF;
	_ =	strace $0x90000046  }
0xb2: {  	s29 =	simm.s32 $0x9;
	_ =	strace $0x80000048  }
0xb3: {  	_ =	swait.ge [sflag:s29], $0x1  }
0xb4: {  	[sflag:s29] =	ssyncadd.s32 $0xFFFFFFFF  }
0xb5: {  	_ =	strace $0x90000048  }
0xb6: {  	_ =	sfence  }
0xb7: {  	s30 =	sld [smem:$0x0];
	_ =	sdelay $0x2  }
0xb8: {  	s31 =	sshll.u32 s1, $0xD;
	s1 =	sshrl.u32 s1, $0x2  }
0xb9: {  	s3 =	sand.u32 $0x4000, s31;
	s1 =	sadd.s32 s1, s30  }
0xba: {  	s0 =	sor.u32 s3, s0;
	s1 =	sshll.u32 s1, $0x11  }
0xbb: {  	s0 =	sor.u32 s1, s0  }
0xbc: {  	s0 =	sadd.s32 $0x8F2B, s0  }
0xbd: {  	[sflag:s0] =	ssyncadd.remote.s32 $0x1  }
0xbe: {  	_ =	sfence.sel $0xFFFF  }
0xbf: {  	[dreg:$0x0] =	wrdreg $0xFFFFFFFF;
	(pc) =	sbr.abs _section_cstart, $3  }
0xc0: {  	[dreg:$0x1] =	wrdreg $0xFFFFFFFF  }
0xc1: {  	_ =	task.clear_ibuf [dreg:s7], $0x2FFFF;
	_ =	strace $0x9FFFFFFF  }
0xc2: {  	(tm) =	ssettm $0x7FFFFFFF  }
0xc3: {  	_ =	shalt  }
tec
execute0_lowered:
.L_overlay_start_1:
0x0: {  	(tag) =	ssettag $0x1  }
0x1: {  	s1 =	rddreg [dreg:$0x0]  }
0x2: {  	s6 =	rddreg [dreg:$0x1]  }
0x3: {  	s0 =	rddreg [dreg:$0x2]  }
0x4: {  	s3 =	simm.s32 $0x0;
	s4 =	srdreg.scid;
	s2 =	stileid.u32  }
0x5: {  	s12 =	simm.s32 $0x3;
	s13 =	simm.s32 $0x18A00;
	s14 =	simm.s32 $0x1  }
0x6: {  	s15 =	simm.s32 $0x8000;
	s16 =	simm.s32 $0x10000;
	s17 =	simm.s32 $0x2  }
0x7: {  	s18 =	simm.s32 $0x18180;
	s19 =	simm.s32 $0x0;
	[smem:$0x7FF] =	sst s3  }
0x8: {  	s4 =	sand.u32 $0x1, s4;
	s5 =	sshll.u32 s2, $0x1;
	_ =	strace $0x80000047  }
0x9: {  	s5 =	sor.u32 s4, s5;
	s7 =	ssub.s32 $0x2, s4;
	s4 =	sadd.s32 $0x800, s6  }
0xa: {  	s8 =	sshll.u32 s5, $0x8;
	s9 =	sshrl.u32 s7, $0x1;
	s31 =	sshll.u32 s5, $0x11  }
0xb: {  	s5 =	sshll.u32 s5, $0x14;
	s10 =	sadd.s32 s8, s6;
	s11 =	ssub.s32 s7, s9  }
0xc: {  	v1 =	vlaneseq.u32;
	s6 =	sadd.s32 $0x802, s6;
	s7 =	sadd.s32 s1, s31;
	s8 =	sor.u32 $0x10000, s5  }
0xd: {  	v0 =	vimm.f32 $0.0e+00;
	v2 =	vimm.f32 $1.000000000e+00;
	v1 =	vmul.u32 $0x811, v1;
	s9 =	sadd.s32 $0xA00, s10;
	s10 =	smax.u32 s11, $0x1;
	s11 =	simm.s32 $0x18980  }
.LBB2_1:
0xe: {  	[tilespmem:s11], [sflag:$0x3] =	stream.linear.gather [hbm4b:s4+s3], $0x10, $0x38;
	[tilespmem:$0x18A80] =	vst v63  }
0xf: {  	_ =	swait.ge [sflag:s12], $0x10  }
0x10: {  	[sflag:s12] =	ssyncset.done $0x0  }
0x11: {  	[sflag:s12] =	ssyncadd.s32 $0xFFFFFFF0  }
0x12: {  	[tilespmem:s13], [sflag:$0x3] =	stream.linear.gather [hbm4b:s6+s3], $0x10, $0x38;
	[tilespmem:$0x18A80] =	vst v63  }
0x13: {  	_ =	swait.ge [sflag:s12], $0x10  }
0x14: {  	[sflag:s12] =	ssyncset.done $0x0  }
0x15: {  	[sflag:s12] =	ssyncadd.s32 $0xFFFFFFF0  }
0x16: {  	v3 =	vld [tilespmem:$0x18980]  }
0x17: {  	s20 =	simm.s32 $0x40;
	s21 =	simm.s32 $0x0;
	v4 =	vld [tilespmem:$0x18A00]  }
.LBB2_2:
0x18: {  	p0 =	sne.s32 s20, $0x20400;
	[tilespmem:s21+$0x10000] =	vst v0;
	s21 =	smov.u32 s20;
	s20 =	sadd.s32 $0x40, s20  }
.Ltmp0:
0x19: {  	(pc) =	sbr.rel @p0 .LBB2_2-.Ltmp0, $2  }
0x1a: {  	_ =	sdelay $0x2  }
0x1b: {  	s21 =	sshra.s32 s21, $0x2  }
0x1c: {  	[tilespmem:s21+$0x10000] =	vst v0;
	s20 =	simm.s32 $0x0  }
0x1d: {  	[tilespmem:s20], [sflag:$0x1] =	stream.linear.gather [hbm4b:s7+s20], $0x8000, $0x38;
	[tilespmem:$0x18A80] =	vst v63  }
.LBB2_4:
0x1e: {  	s21 =	sshll.u32 s20, $0x10  }
0x1f: {  	s22 =	sor.u32 s21, s5  }
0x20: {  	_ =	swait.ge [sflag:s14], $0x8000;
	s22 =	sshrl.u32 s22, $0x3  }
0x21: {  	[sflag:s14] =	ssyncset.done $0x0;
	s22 =	sadd.s32 s22, s1  }
0x22: {  	s30 =	simm.s32 $0x40;
	[sflag:s14] =	ssyncadd.s32 $0xFFFF8000;
	s22 =	sadd.s32 $0x1000, s22  }
0x23: {  	[tilespmem:s15], [sflag:$0x2] =	stream.linear.gather [hbm4b:s22+s3], $0x8000, $0x38;
	[tilespmem:$0x18A80] =	vst v63  }
0x24: {  	v5 =	vld [tilespmem:s30+$0x30]  }
0x25: {  	v6 =	vld [tilespmem:s30+$0xFFFFFFD0]  }
0x26: {  	v7 =	vld [tilespmem:s30+$0xFFFFFFE0]  }
0x27: {  	v8 =	vld [tilespmem:s30+$0xFFFFFFF0]  }
0x28: {  	v9 =	vld [tilespmem:s30+$0x0]  }
0x29: {  	v10 =	vld [tilespmem:s30+$0x10]  }
0x2a: {  	v11 =	vld [tilespmem:s30+$0x20]  }
0x2b: {  	s31 =	simm.s32 $0xC0;
	v12 =	vld [tilespmem:s30+$0xFFFFFFC0]  }
0x2c: {  	v13 =	vld [tilespmem:s31+$0x30]  }
0x2d: {  	v15 =	vld [tilespmem:s31+$0xFFFFFFE0];
	v5 =	vmul.f32 v5, v3  }
0x2e: {  	v16 =	vld [tilespmem:s31+$0xFFFFFFF0];
	v6 =	vmul.f32 v6, v3;
	v7 =	vmul.f32 v7, v3  }
0x2f: {  	v8 =	vmul.f32 v8, v3;
	v9 =	vmul.f32 v9, v3  }
0x30: {  	v10 =	vmul.f32 v10, v3;
	v11 =	vmul.f32 v11, v3  }
0x31: {  	v12 =	vmul.f32 v12, v3;
	v13 =	vmul.f32 v13, v3;
	v5 =	vadd.f32 v5, v4  }
0x32: {  	v15 =	vmul.f32 v15, v3;
	v6 =	vadd.f32 v6, v4;
	v7 =	vadd.f32 v7, v4  }
0x33: {  	v16 =	vmul.f32 v16, v3;
	v8 =	vadd.f32 v8, v4;
	v9 =	vadd.f32 v9, v4  }
0x34: {  	v10 =	vadd.f32 v10, v4;
	v11 =	vadd.f32 v11, v4;
	v5 =	vtrunc.f32 v5  }
0x35: {  	v12 =	vadd.f32 v12, v4;
	v6 =	vtrunc.f32 v6;
	v7 =	vtrunc.f32 v7  }
0x36: {  	v13 =	vadd.f32 v13, v4;
	v8 =	vtrunc.f32 v8;
	v9 =	vtrunc.f32 v9  }
0x37: {  	v10 =	vtrunc.f32 v10;
	v12 =	vtrunc.f32 v12  }
0x38: {  	v11 =	vtrunc.f32 v11;
	v13 =	vtrunc.f32 v13  }
0x39: {  	v5 =	vcvt.f32.s32 v5;
	v12 =	vcvt.f32.s32 v12  }
0x3a: {  	v6 =	vcvt.f32.s32 v6;
	v7 =	vcvt.f32.s32 v7  }
0x3b: {  	v8 =	vcvt.f32.s32 v8;
	v9 =	vcvt.f32.s32 v9  }
0x3c: {  	v14 =	vld [tilespmem:s31+$0xFFFFFFD0];
	v16 =	vadd.f32 v16, v4;
	v10 =	vcvt.f32.s32 v10;
	v11 =	vcvt.f32.s32 v11  }
0x3d: {  	v13 =	vcvt.f32.s32 v13;
	vm0 =	vlt.s32 v5, $0x7FF;
	vm13 =	vlt.s32 v12, $0x7FF  }
0x3e: {  	vm1 =	vlt.s32 v6, $0x7FF;
	vm2 =	vlt.s32 v7, $0x7FF;
	vm3 =	vlt.s32 v8, $0x7FF  }
0x3f: {  	v17 =	vld [tilespmem:s31+$0x0];
	vm4 =	vlt.s32 v9, $0x7FF;
	vm5 =	vlt.s32 v10, $0x7FF;
	vm14 =	vlt.s32 v11, $0x7FF  }
0x40: {  	vm15 =	vlt.s32 v13, $0x7FF;
	v12 =	vnsel vm13, $0x7FF, v12;
	v18 =	vnsel vm4, $0x7FF, v9;
	v9 =	vld [tilespmem:s31+$0x10]  }
0x41: {  	v19 =	vnsel vm5, $0x7FF, v10;
	v20 =	vnsel vm14, $0x7FF, v11;
	v10 =	vmul.f32 v14, v3;
	v11 =	vld [tilespmem:s31+$0x20]  }
0x42: {  	v5 =	vnsel vm0, $0x7FF, v5;
	v6 =	vnsel vm1, $0x7FF, v6;
	v14 =	vld [tilespmem:s31+$0xFFFFFFC0];
	v12 =	vadd.s32 v1, v12  }
0x43: {  	v8 =	vnsel vm3, $0x7FF, v8;
	v5 =	vadd.s32 v1, v5;
	v10 =	vadd.f32 v10, v4  }
0x44: {  	v7 =	vnsel vm2, $0x7FF, v7;
	v6 =	vadd.s32 v1, v6;
	v21 =	vadd.s32 v1, v8  }
0x45: {  	v8 =	vadd.f32 v15, v4;
	v15 =	vmul.f32 v17, v3;
	v17 =	vtrunc.f32 v10  }
0x46: {  	v7 =	vadd.s32 v1, v7;
	v9 =	vmul.f32 v9, v3;
	v11 =	vmul.f32 v11, v3  }
0x47: {  	v10 =	vadd.f32 v15, v4;
	v14 =	vmul.f32 v14, v3;
	[tilespmem:v12+s16+$0x0] =	vst.idx.add.f32.msk $0xffff, v2;
	v12 =	vtrunc.f32 v16  }
0x48: {  	[tilespmem:v5+s16+$0x0] =	vst.idx.add.f32.msk $0xffff, v2;
	v22 =	vadd.f32 v9, v4;
	v9 =	vtrunc.f32 v8;
	v8 =	vnsel vm15, $0x7FF, v13  }
0x49: {  	v5 =	vadd.f32 v11, v4;
	v13 =	vadd.f32 v14, v4;
	v8 =	vadd.s32 v1, v8  }
0x4a: {  	[tilespmem:v6+s16+$0x0] =	vst.idx.add.f32.msk $0xffff, v2;
	v15 =	vtrunc.f32 v10;
	v6 =	vadd.s32 v1, v18;
	v11 =	vtrunc.f32 v22  }
0x4b: {  	[tilespmem:v7+s16+$0x0] =	vst.idx.add.f32.msk $0xffff, v2;
	v7 =	vadd.s32 v1, v19;
	v13 =	vtrunc.f32 v13;
	v10 =	vtrunc.f32 v5  }
0x4c: {  	s23 =	simm.s32 $0x140;
	s22 =	simm.s32 $0x8;
	[tilespmem:v21+s16+$0x0] =	vst.idx.add.f32.msk $0xffff, v2;
	v5 =	vadd.s32 v1, v20;
	v14 =	vcvt.f32.s32 v13;
	v13 =	vcvt.f32.s32 v17  }
.LBB2_5:
0x4d: {  	v16 =	vld [tilespmem:s23+$0x30];
	v9 =	vcvt.f32.s32 v9;
	v12 =	vcvt.f32.s32 v12  }
0x4e: {  	s22 =	sadd.s32 $0x8, s22;
	v15 =	vcvt.f32.s32 v15;
	v11 =	vcvt.f32.s32 v11;
	vm0 =	vlt.s32 v14, $0x7FF;
	[tilespmem:v8+s16+$0x0] =	vst.idx.add.f32.msk $0xffff, v2  }
0x4f: {  	v10 =	vcvt.f32.s32 v10;
	p0 =	slt.u32 s22, $0x7F8;
	vm1 =	vlt.s32 v13, $0x7FF;
	v8 =	vld [tilespmem:s23+$0xFFFFFFD0];
	vm2 =	vlt.s32 v9, $0x7FF  }
0x50: {  	vm3 =	vlt.s32 v12, $0x7FF;
	vm4 =	vlt.s32 v15, $0x7FF;
	vm5 =	vlt.s32 v11, $0x7FF;
	v17 =	vld [tilespmem:s23+$0xFFFFFFE0]  }
0x51: {  	v14 =	vnsel vm0, $0x7FF, v14;
	v13 =	vnsel vm1, $0x7FF, v13;
	vm0 =	vlt.s32 v10, $0x7FF;
	v18 =	vld [tilespmem:s23+$0xFFFFFFF0]  }
0x52: {  	v9 =	vnsel vm2, $0x7FF, v9;
	v12 =	vnsel vm3, $0x7FF, v12;
	v20 =	vnsel vm4, $0x7FF, v15;
	v19 =	vld [tilespmem:s23+$0x0]  }
0x53: {  	v21 =	vnsel vm5, $0x7FF, v11;
	v22 =	vnsel vm0, $0x7FF, v10;
	v16 =	vmul.f32 v16, v3;
	v15 =	vld [tilespmem:s23+$0x10]  }
0x54: {  	v11 =	vadd.s32 v1, v14;
	v13 =	vadd.s32 v1, v13;
	v8 =	vmul.f32 v8, v3;
	v10 =	vld [tilespmem:s23+$0x20]  }
0x55: {  	v23 =	vadd.s32 v1, v9;
	v16 =	vadd.f32 v16, v4;
	v14 =	vld [tilespmem:s23+$0xFFFFFFC0];
	v17 =	vmul.f32 v17, v3  }
0x56: {  	v8 =	vadd.f32 v8, v4;
	v9 =	vmul.f32 v18, v3;
	v18 =	vadd.s32 v1, v12  }
0x57: {  	v16 =	vtrunc.f32 v16;
	v12 =	vadd.f32 v17, v4;
	v17 =	vmul.f32 v19, v3;
	[tilespmem:v6+s16+$0x0] =	vst.idx.add.f32.msk $0xffff, v2  }
0x58: {  	v6 =	vadd.f32 v9, v4;
	v9 =	vmul.f32 v15, v3;
	v15 =	vcvt.f32.s32 v16;
	[tilespmem:v7+s16+$0x0] =	vst.idx.add.f32.msk $0xffff, v2  }
0x59: {  	v16 =	vtrunc.f32 v8;
	v7 =	vadd.f32 v17, v4;
	v8 =	vmul.f32 v10, v3;
	[tilespmem:v11+s16+$0x0] =	vst.idx.add.f32.msk $0xffff, v2  }
0x5a: {  	v10 =	vmul.f32 v14, v3;
	v11 =	vadd.f32 v9, v4;
	vm0 =	vlt.s32 v15, $0x7FF;
	[tilespmem:v13+s16+$0x0] =	vst.idx.add.f32.msk $0xffff, v2  }
.Ltmp1:
0x5b: {  	v9 =	vtrunc.f32 v12;
	v13 =	vadd.f32 v8, v4;
	v8 =	vnsel vm0, $0x7FF, v15;
	[tilespmem:v23+s16+$0x0] =	vst.idx.add.f32.msk $0xffff, v2;
	(pc) =	sbr.rel @p0 .LBB2_5-.Ltmp1, $4  }
0x5c: {  	v12 =	vtrunc.f32 v6;
	v10 =	vadd.f32 v10, v4;
	v8 =	vadd.s32 v1, v8;
	[tilespmem:v18+s16+$0x0] =	vst.idx.add.f32.msk $0xffff, v2  }
0x5d: {  	v6 =	vadd.s32 v1, v20;
	v15 =	vtrunc.f32 v7;
	v11 =	vtrunc.f32 v11;
	[tilespmem:v5+s16+$0x0] =	vst.idx.add.f32.msk $0xffff, v2  }
0x5e: {  	v7 =	vadd.s32 v1, v21;
	v5 =	vtrunc.f32 v10;
	v10 =	vtrunc.f32 v13  }
0x5f: {  	s23 =	sadd.s32 $0x80, s23;
	v13 =	vcvt.f32.s32 v16;
	v14 =	vcvt.f32.s32 v5;
	v5 =	vadd.s32 v1, v22  }
0x60: {  	v9 =	vcvt.f32.s32 v9;
	v12 =	vcvt.f32.s32 v12  }
0x61: {  	v15 =	vcvt.f32.s32 v15;
	v11 =	vcvt.f32.s32 v11;
	vm0 =	vlt.s32 v14, $0x7FF  }
0x62: {  	v10 =	vcvt.f32.s32 v10;
	v14 =	vnsel vm0, $0x7FF, v14;
	vm6 =	vlt.s32 v9, $0x7FF  }
0x63: {  	vm1 =	vlt.s32 v13, $0x7FF;
	v14 =	vadd.s32 v1, v14;
	v9 =	vnsel vm6, $0x7FF, v9  }
0x64: {  	[tilespmem:v8+s16+$0x0] =	vst.idx.add.f32.msk $0xffff, v2;
	v13 =	vnsel vm1, $0x7FF, v13;
	vm7 =	vlt.s32 v12, $0x7FF;
	v9 =	vadd.s32 v1, v9  }
0x65: {  	[tilespmem:v6+s16+$0x0] =	vst.idx.add.f32.msk $0xffff, v2;
	vm8 =	vlt.s32 v15, $0x7FF;
	v13 =	vadd.s32 v1, v13;
	v8 =	vnsel vm7, $0x7FF, v12  }
0x66: {  	[tilespmem:v7+s16+$0x0] =	vst.idx.add.f32.msk $0xffff, v2;
	vm9 =	vlt.s32 v11, $0x7FF;
	v6 =	vnsel vm8, $0x7FF, v15;
	v8 =	vadd.s32 v1, v8  }
0x67: {  	[tilespmem:v5+s16+$0x0] =	vst.idx.add.f32.msk $0xffff, v2;
	vm10 =	vlt.s32 v10, $0x7FF;
	v7 =	vnsel vm9, $0x7FF, v11;
	v6 =	vadd.s32 v1, v6  }
0x68: {  	v10 =	vnsel vm10, $0x7FF, v10;
	v7 =	vadd.s32 v1, v7;
	[tilespmem:v14+s16+$0x0] =	vst.idx.add.f32.msk $0xffff, v2  }
0x69: {  	[tilespmem:v9+s16+$0x0] =	vst.idx.add.f32.msk $0xffff, v2;
	v9 =	vadd.s32 v1, v10  }
0x6a: {  	[tilespmem:v13+s16+$0x0] =	vst.idx.add.f32.msk $0xffff, v2  }
0x6b: {  	[tilespmem:v8+s16+$0x0] =	vst.idx.add.f32.msk $0xffff, v2  }
0x6c: {  	[tilespmem:v6+s16+$0x0] =	vst.idx.add.f32.msk $0xffff, v2  }
0x6d: {  	[tilespmem:v7+s16+$0x0] =	vst.idx.add.f32.msk $0xffff, v2  }
0x6e: {  	p0 =	seq.s32 s20, $0xF;
	[tilespmem:v9+s16+$0x0] =	vst.idx.add.f32.msk $0xffff, v2  }
0x6f: {  	s21 =	sadd.s32 @!p0 s21, s8;
	_ =	swait.ge [sflag:s17], $0x8000  }
0x70: {  	s30 =	simm.s32 $0x8040;
	s21 =	sshrl.u32 @!p0 s21, $0x3;
	[sflag:s17] =	ssyncset.done $0x0  }
0x71: {  	s22 =	simm.s32 @!p0 $0x0;
	s21 =	sadd.s32 @!p0 s1, s21;
	[sflag:s17] =	ssyncadd.s32 $0xFFFF8000  }
0x72: {  	[tilespmem:s22], [sflag:$0x1] =	stream.linear.gather @!p0 [hbm4b:s21+s22], $0x8000, $0x38;
	[tilespmem:$0x18A80] =	vst v63  }
0x73: {  	v5 =	vld [tilespmem:s30+$0x30]  }
0x74: {  	v6 =	vld [tilespmem:s30+$0xFFFFFFD0]  }
0x75: {  	v7 =	vld [tilespmem:s30+$0xFFFFFFE0]  }
0x76: {  	v8 =	vld [tilespmem:s30+$0xFFFFFFF0]  }
0x77: {  	v9 =	vld [tilespmem:s30+$0x0]  }
0x78: {  	v10 =	vld [tilespmem:s30+$0x10]  }
0x79: {  	v11 =	vld [tilespmem:s30+$0x20]  }
0x7a: {  	s31 =	simm.s32 $0x80C0;
	v12 =	vld [tilespmem:s30+$0xFFFFFFC0]  }
0x7b: {  	v13 =	vld [tilespmem:s31+$0x30]  }
0x7c: {  	v15 =	vld [tilespmem:s31+$0xFFFFFFE0];
	v5 =	vmul.f32 v5, v3  }
0x7d: {  	v16 =	vld [tilespmem:s31+$0xFFFFFFF0];
	v6 =	vmul.f32 v6, v3;
	v7 =	vmul.f32 v7, v3  }
0x7e: {  	v8 =	vmul.f32 v8, v3;
	v9 =	vmul.f32 v9, v3  }
0x7f: {  	v10 =	vmul.f32 v10, v3;
	v11 =	vmul.f32 v11, v3  }
0x80: {  	v12 =	vmul.f32 v12, v3;
	v13 =	vmul.f32 v13, v3;
	v5 =	vadd.f32 v5, v4  }
0x81: {  	v15 =	vmul.f32 v15, v3;
	v6 =	vadd.f32 v6, v4;
	v7 =	vadd.f32 v7, v4  }
0x82: {  	v16 =	vmul.f32 v16, v3;
	v8 =	vadd.f32 v8, v4;
	v9 =	vadd.f32 v9, v4  }
0x83: {  	v10 =	vadd.f32 v10, v4;
	v11 =	vadd.f32 v11, v4;
	v5 =	vtrunc.f32 v5  }
0x84: {  	v12 =	vadd.f32 v12, v4;
	v6 =	vtrunc.f32 v6;
	v7 =	vtrunc.f32 v7  }
0x85: {  	v13 =	vadd.f32 v13, v4;
	v8 =	vtrunc.f32 v8;
	v9 =	vtrunc.f32 v9  }
0x86: {  	v10 =	vtrunc.f32 v10;
	v12 =	vtrunc.f32 v12  }
0x87: {  	v11 =	vtrunc.f32 v11;
	v13 =	vtrunc.f32 v13  }
0x88: {  	v5 =	vcvt.f32.s32 v5;
	v12 =	vcvt.f32.s32 v12  }
0x89: {  	v6 =	vcvt.f32.s32 v6;
	v7 =	vcvt.f32.s32 v7  }
0x8a: {  	v8 =	vcvt.f32.s32 v8;
	v9 =	vcvt.f32.s32 v9  }
0x8b: {  	v14 =	vld [tilespmem:s31+$0xFFFFFFD0];
	v16 =	vadd.f32 v16, v4;
	v10 =	vcvt.f32.s32 v10;
	v11 =	vcvt.f32.s32 v11  }
0x8c: {  	v13 =	vcvt.f32.s32 v13;
	vm11 =	vlt.s32 v5, $0x7FF;
	vm12 =	vlt.s32 v12, $0x7FF  }
0x8d: {  	vm13 =	vlt.s32 v6, $0x7FF;
	vm2 =	vlt.s32 v7, $0x7FF;
	vm3 =	vlt.s32 v8, $0x7FF  }
0x8e: {  	v17 =	vld [tilespmem:s31+$0x0];
	vm4 =	vlt.s32 v9, $0x7FF;
	vm5 =	vlt.s32 v10, $0x7FF;
	vm14 =	vlt.s32 v11, $0x7FF  }
0x8f: {  	vm15 =	vlt.s32 v13, $0x7FF;
	v12 =	vnsel vm12, $0x7FF, v12;
	v18 =	vnsel vm4, $0x7FF, v9;
	v9 =	vld [tilespmem:s31+$0x10]  }
0x90: {  	v19 =	vnsel vm5, $0x7FF, v10;
	v20 =	vnsel vm14, $0x7FF, v11;
	v10 =	vmul.f32 v14, v3;
	v11 =	vld [tilespmem:s31+$0x20]  }
0x91: {  	v5 =	vnsel vm11, $0x7FF, v5;
	v6 =	vnsel vm13, $0x7FF, v6;
	v14 =	vld [tilespmem:s31+$0xFFFFFFC0];
	v12 =	vadd.s32 v1, v12  }
0x92: {  	v8 =	vnsel vm3, $0x7FF, v8;
	v5 =	vadd.s32 v1, v5;
	v10 =	vadd.f32 v10, v4  }
0x93: {  	v7 =	vnsel vm2, $0x7FF, v7;
	v6 =	vadd.s32 v1, v6;
	v21 =	vadd.s32 v1, v8  }
0x94: {  	v8 =	vadd.f32 v15, v4;
	v15 =	vmul.f32 v17, v3;
	v17 =	vtrunc.f32 v10  }
0x95: {  	v7 =	vadd.s32 v1, v7;
	v9 =	vmul.f32 v9, v3;
	v11 =	vmul.f32 v11, v3  }
0x96: {  	v10 =	vadd.f32 v15, v4;
	v14 =	vmul.f32 v14, v3;
	[tilespmem:v12+s16+$0x0] =	vst.idx.add.f32.msk $0xffff, v2;
	v12 =	vtrunc.f32 v16  }
0x97: {  	[tilespmem:v5+s16+$0x0] =	vst.idx.add.f32.msk $0xffff, v2;
	v22 =	vadd.f32 v9, v4;
	v9 =	vtrunc.f32 v8;
	v8 =	vnsel vm15, $0x7FF, v13  }
0x98: {  	v5 =	vadd.f32 v11, v4;
	v13 =	vadd.f32 v14, v4;
	v8 =	vadd.s32 v1, v8  }
0x99: {  	[tilespmem:v6+s16+$0x0] =	vst.idx.add.f32.msk $0xffff, v2;
	v15 =	vtrunc.f32 v10;
	v6 =	vadd.s32 v1, v18;
	v11 =	vtrunc.f32 v22  }
0x9a: {  	[tilespmem:v7+s16+$0x0] =	vst.idx.add.f32.msk $0xffff, v2;
	v7 =	vadd.s32 v1, v19;
	v13 =	vtrunc.f32 v13;
	v10 =	vtrunc.f32 v5  }
0x9b: {  	s21 =	simm.s32 $0x8;
	s22 =	simm.s32 $0x8140;
	[tilespmem:v21+s16+$0x0] =	vst.idx.add.f32.msk $0xffff, v2;
	v5 =	vadd.s32 v1, v20;
	v14 =	vcvt.f32.s32 v13;
	v13 =	vcvt.f32.s32 v17  }
.LBB2_7:
0x9c: {  	v16 =	vld [tilespmem:s22+$0x30];
	v9 =	vcvt.f32.s32 v9;
	v12 =	vcvt.f32.s32 v12  }
0x9d: {  	s21 =	sadd.s32 $0x8, s21;
	v15 =	vcvt.f32.s32 v15;
	v11 =	vcvt.f32.s32 v11;
	vm0 =	vlt.s32 v14, $0x7FF;
	[tilespmem:v8+s16+$0x0] =	vst.idx.add.f32.msk $0xffff, v2  }
0x9e: {  	v10 =	vcvt.f32.s32 v10;
	p0 =	slt.u32 s21, $0x7F8;
	vm1 =	vlt.s32 v13, $0x7FF;
	v8 =	vld [tilespmem:s22+$0xFFFFFFD0];
	vm2 =	vlt.s32 v9, $0x7FF  }
0x9f: {  	vm3 =	vlt.s32 v12, $0x7FF;
	vm4 =	vlt.s32 v15, $0x7FF;
	vm5 =	vlt.s32 v11, $0x7FF;
	v17 =	vld [tilespmem:s22+$0xFFFFFFE0]  }
0xa0: {  	v14 =	vnsel vm0, $0x7FF, v14;
	v13 =	vnsel vm1, $0x7FF, v13;
	vm0 =	vlt.s32 v10, $0x7FF;
	v18 =	vld [tilespmem:s22+$0xFFFFFFF0]  }
0xa1: {  	v9 =	vnsel vm2, $0x7FF, v9;
	v12 =	vnsel vm3, $0x7FF, v12;
	v20 =	vnsel vm4, $0x7FF, v15;
	v19 =	vld [tilespmem:s22+$0x0]  }
0xa2: {  	v21 =	vnsel vm5, $0x7FF, v11;
	v22 =	vnsel vm0, $0x7FF, v10;
	v16 =	vmul.f32 v16, v3;
	v15 =	vld [tilespmem:s22+$0x10]  }
0xa3: {  	v11 =	vadd.s32 v1, v14;
	v13 =	vadd.s32 v1, v13;
	v8 =	vmul.f32 v8, v3;
	v10 =	vld [tilespmem:s22+$0x20]  }
0xa4: {  	v23 =	vadd.s32 v1, v9;
	v16 =	vadd.f32 v16, v4;
	v14 =	vld [tilespmem:s22+$0xFFFFFFC0];
	v17 =	vmul.f32 v17, v3  }
0xa5: {  	v8 =	vadd.f32 v8, v4;
	v9 =	vmul.f32 v18, v3;
	v18 =	vadd.s32 v1, v12  }
0xa6: {  	v16 =	vtrunc.f32 v16;
	v12 =	vadd.f32 v17, v4;
	v17 =	vmul.f32 v19, v3;
	[tilespmem:v6+s16+$0x0] =	vst.idx.add.f32.msk $0xffff, v2  }
0xa7: {  	v6 =	vadd.f32 v9, v4;
	v9 =	vmul.f32 v15, v3;
	v15 =	vcvt.f32.s32 v16;
	[tilespmem:v7+s16+$0x0] =	vst.idx.add.f32.msk $0xffff, v2  }
0xa8: {  	v16 =	vtrunc.f32 v8;
	v7 =	vadd.f32 v17, v4;
	v8 =	vmul.f32 v10, v3;
	[tilespmem:v11+s16+$0x0] =	vst.idx.add.f32.msk $0xffff, v2  }
0xa9: {  	v10 =	vmul.f32 v14, v3;
	v11 =	vadd.f32 v9, v4;
	vm0 =	vlt.s32 v15, $0x7FF;
	[tilespmem:v13+s16+$0x0] =	vst.idx.add.f32.msk $0xffff, v2  }
.Ltmp2:
0xaa: {  	v9 =	vtrunc.f32 v12;
	v13 =	vadd.f32 v8, v4;
	v8 =	vnsel vm0, $0x7FF, v15;
	[tilespmem:v23+s16+$0x0] =	vst.idx.add.f32.msk $0xffff, v2;
	(pc) =	sbr.rel @p0 .LBB2_7-.Ltmp2, $4  }
0xab: {  	v12 =	vtrunc.f32 v6;
	v10 =	vadd.f32 v10, v4;
	v8 =	vadd.s32 v1, v8;
	[tilespmem:v18+s16+$0x0] =	vst.idx.add.f32.msk $0xffff, v2  }
0xac: {  	v6 =	vadd.s32 v1, v20;
	v15 =	vtrunc.f32 v7;
	v11 =	vtrunc.f32 v11;
	[tilespmem:v5+s16+$0x0] =	vst.idx.add.f32.msk $0xffff, v2  }
0xad: {  	v7 =	vadd.s32 v1, v21;
	v5 =	vtrunc.f32 v10;
	v10 =	vtrunc.f32 v13  }
0xae: {  	s22 =	sadd.s32 $0x80, s22;
	v13 =	vcvt.f32.s32 v16;
	v14 =	vcvt.f32.s32 v5;
	v5 =	vadd.s32 v1, v22  }
0xaf: {  	v9 =	vcvt.f32.s32 v9;
	v12 =	vcvt.f32.s32 v12  }
0xb0: {  	v15 =	vcvt.f32.s32 v15;
	v11 =	vcvt.f32.s32 v11;
	vm0 =	vlt.s32 v14, $0x7FF  }
0xb1: {  	v10 =	vcvt.f32.s32 v10;
	vm1 =	vlt.s32 v13, $0x7FF;
	v14 =	vnsel vm0, $0x7FF, v14  }
0xb2: {  	vm11 =	vlt.s32 v9, $0x7FF;
	v13 =	vnsel vm1, $0x7FF, v13;
	v14 =	vadd.s32 v1, v14  }
0xb3: {  	[tilespmem:v8+s16+$0x0] =	vst.idx.add.f32.msk $0xffff, v2;
	vm12 =	vlt.s32 v12, $0x7FF;
	v9 =	vnsel vm11, $0x7FF, v9;
	v13 =	vadd.s32 v1, v13  }
0xb4: {  	[tilespmem:v6+s16+$0x0] =	vst.idx.add.f32.msk $0xffff, v2;
	vm13 =	vlt.s32 v15, $0x7FF;
	v62 =	vnsel vm12, $0x7FF, v12;
	v9 =	vadd.s32 v1, v9  }
0xb5: {  	[tilespmem:v7+s16+$0x0] =	vst.idx.add.f32.msk $0xffff, v2;
	vm14 =	vlt.s32 v11, $0x7FF;
	v6 =	vnsel vm13, $0x7FF, v15;
	v8 =	vadd.s32 v1, v62  }
0xb6: {  	[tilespmem:v5+s16+$0x0] =	vst.idx.add.f32.msk $0xffff, v2;
	vm15 =	vlt.s32 v10, $0x7FF;
	v7 =	vnsel vm14, $0x7FF, v11;
	v6 =	vadd.s32 v1, v6  }
0xb7: {  	s20 =	sadd.s32 $0x1, s20;
	v10 =	vnsel vm15, $0x7FF, v10;
	v7 =	vadd.s32 v1, v7;
	[tilespmem:v14+s16+$0x0] =	vst.idx.add.f32.msk $0xffff, v2  }
0xb8: {  	p0 =	sne.s32 s20, $0x10;
	v63 =	vadd.s32 v1, v10;
	[tilespmem:v13+s16+$0x0] =	vst.idx.add.f32.msk $0xffff, v2  }
.Ltmp3:
0xb9: {  	[tilespmem:v9+s16+$0x0] =	vst.idx.add.f32.msk $0xffff, v2;
	(pc) =	sbr.rel @p0 .LBB2_4-.Ltmp3, $4  }
0xba: {  	[tilespmem:v8+s16+$0x0] =	vst.idx.add.f32.msk $0xffff, v2  }
0xbb: {  	[tilespmem:v6+s16+$0x0] =	vst.idx.add.f32.msk $0xffff, v2  }
0xbc: {  	[tilespmem:v7+s16+$0x0] =	vst.idx.add.f32.msk $0xffff, v2  }
0xbd: {  	[tilespmem:v63+s16+$0x0] =	vst.idx.add.f32.msk $0xffff, v2  }
0xbe: {  	s21 =	simm.s32 $0x0  }
0xbf: {  	v3 =	vld [tilespmem:s21+$0x10000]  }
0xc0: {  	v4 =	vld [tilespmem:s21+$0x10811];
	_ =	sdelay $0x1  }
0xc1: {  	v5 =	vld [tilespmem:s21+$0x11022];
	_ =	sdelay $0x1  }
0xc2: {  	v6 =	vld [tilespmem:s21+$0x11833]  }
0xc3: {  	v3 =	vadd.f32 v4, v3  }
0xc4: {  	v4 =	vld [tilespmem:s21+$0x12044]  }
0xc5: {  	v3 =	vadd.f32 v5, v3  }
0xc6: {  	v5 =	vld [tilespmem:s21+$0x12855]  }
0xc7: {  	v3 =	vadd.f32 v6, v3  }
0xc8: {  	v6 =	vld [tilespmem:s21+$0x13066]  }
0xc9: {  	v3 =	vadd.f32 v4, v3  }
0xca: {  	v4 =	vld [tilespmem:s21+$0x13877]  }
0xcb: {  	s20 =	simm.s32 $0x10;
	v7 =	vld [tilespmem:s21+$0x14088];
	v3 =	vadd.f32 v5, v3  }
0xcc: {  	v8 =	vld [tilespmem:s20+$0x10000]  }
0xcd: {  	v5 =	vld [tilespmem:s21+$0x14899];
	v3 =	vadd.f32 v6, v3  }
0xce: {  	v6 =	vld [tilespmem:s20+$0x10811]  }
0xcf: {  	v9 =	vld [tilespmem:s20+$0x11022];
	v3 =	vadd.f32 v4, v3  }
0xd0: {  	v4 =	vld [tilespmem:s21+$0x150AA]  }
0xd1: {  	v10 =	vld [tilespmem:s20+$0x11833];
	v3 =	vadd.f32 v7, v3  }
0xd2: {  	v7 =	vld [tilespmem:s21+$0x158BB]  }
0xd3: {  	v6 =	vadd.f32 v6, v8;
	v8 =	vld [tilespmem:s20+$0x12044];
	v3 =	vadd.f32 v5, v3  }
0xd4: {  	v5 =	vld [tilespmem:s21+$0x160CC]  }
0xd5: {  	v6 =	vadd.f32 v9, v6;
	v9 =	vld [tilespmem:s20+$0x12855];
	v3 =	vadd.f32 v4, v3  }
0xd6: {  	v4 =	vld [tilespmem:s21+$0x168DD]  }
0xd7: {  	v11 =	vld [tilespmem:s20+$0x13066];
	v6 =	vadd.f32 v10, v6;
	v3 =	vadd.f32 v7, v3  }
0xd8: {  	v10 =	vld [tilespmem:s21+$0x170EE]  }
0xd9: {  	v7 =	vadd.f32 v8, v6;
	v6 =	vld [tilespmem:s20+$0x13877];
	v8 =	vadd.f32 v5, v3  }
0xda: {  	v5 =	vld [tilespmem:s21+$0x178FF]  }
0xdb: {  	v3 =	vld [tilespmem:s20+$0x14899];
	v9 =	vadd.f32 v9, v7;
	v12 =	vadd.f32 v4, v8  }
0xdc: {  	s22 =	simm.s32 $0x20;
	v7 =	vld [tilespmem:s20+$0x14088]  }
0xdd: {  	s23 =	simm.s32 $0xC0;
	v4 =	vld [tilespmem:s22+$0x10000];
	v8 =	vadd.f32 v11, v9;
	v9 =	vadd.f32 v10, v12  }
.LBB2_10:
0xde: {  	p0 =	sne.s32 s23, $0x1FC0;
	v10 =	vld [tilespmem:s22+$0x10811]  }
0xdf: {  	v6 =	vadd.f32 v6, v8;
	v8 =	vld [tilespmem:s20+$0x150AA];
	v5 =	vadd.f32 v5, v9  }
0xe0: {  	v9 =	vld [tilespmem:s22+$0x11022]  }
0xe1: {  	v6 =	vadd.f32 v7, v6;
	v7 =	vld [tilespmem:s20+$0x158BB];
	[tilespmem:s21+$0x18180] =	vst v5;
	s21 =	smov.u32 s20;
	s20 =	smov.u32 s22  }
0xe2: {  	v5 =	vld [tilespmem:s20+$0x11833]  }
0xe3: {  	v4 =	vadd.f32 v10, v4;
	v3 =	vadd.f32 v3, v6;
	v6 =	vld [tilespmem:s21+$0x160CC]  }
0xe4: {  	v10 =	vld [tilespmem:s20+$0x12044]  }
0xe5: {  	v4 =	vadd.f32 v9, v4;
	v3 =	vadd.f32 v8, v3;
	v8 =	vld [tilespmem:s21+$0x168DD]  }
0xe6: {  	v9 =	vld [tilespmem:s20+$0x12855]  }
0xe7: {  	v4 =	vadd.f32 v5, v4;
	v3 =	vadd.f32 v7, v3;
	v11 =	vld [tilespmem:s21+$0x170EE]  }
0xe8: {  	v12 =	vld [tilespmem:s20+$0x13066]  }
.Ltmp4:
0xe9: {  	v4 =	vadd.f32 v10, v4;
	v7 =	vadd.f32 v6, v3;
	v5 =	vld [tilespmem:s21+$0x178FF];
	(pc) =	sbr.rel @p0 .LBB2_10-.Ltmp4, $4  }
0xea: {  	v6 =	vld [tilespmem:s20+$0x13877]  }
0xeb: {  	v9 =	vadd.f32 v9, v4;
	v3 =	vld [tilespmem:s20+$0x14899];
	v10 =	vadd.f32 v8, v7  }
0xec: {  	s22 =	sshra.s32 s23, $0x2;
	v7 =	vld [tilespmem:s20+$0x14088]  }
0xed: {  	s23 =	sadd.s32 $0x40, s23;
	v4 =	vld [tilespmem:s22+$0x10000];
	v8 =	vadd.f32 v12, v9;
	v9 =	vadd.f32 v11, v10  }
0xee: {  	v10 =	vld [tilespmem:s22+$0x10811]  }
0xef: {  	v11 =	vld [tilespmem:s20+$0x150AA];
	v5 =	vadd.f32 v5, v9  }
0xf0: {  	v47 =	vld [tilespmem:s22+$0x11022]  }
0xf1: {  	v12 =	vld [tilespmem:s20+$0x158BB];
	v6 =	vadd.f32 v6, v8;
	[tilespmem:s21+$0x18180] =	vst v5  }
0xf2: {  	v5 =	vld [tilespmem:s22+$0x11833]  }
0xf3: {  	v6 =	vadd.f32 v7, v6;
	v4 =	vadd.f32 v10, v4  }
0xf4: {  	v48 =	vld [tilespmem:s22+$0x12044]  }
0xf5: {  	v49 =	vld [tilespmem:s20+$0x160CC];
	v3 =	vadd.f32 v3, v6;
	v4 =	vadd.f32 v47, v4  }
0xf6: {  	v50 =	vld [tilespmem:s22+$0x12855]  }
0xf7: {  	v51 =	vld [tilespmem:s20+$0x168DD];
	v3 =	vadd.f32 v11, v3;
	v4 =	vadd.f32 v5, v4  }
0xf8: {  	v52 =	vld [tilespmem:s22+$0x13066]  }
0xf9: {  	v53 =	vld [tilespmem:s20+$0x170EE];
	v3 =	vadd.f32 v12, v3;
	v4 =	vadd.f32 v48, v4  }
0xfa: {  	v54 =	vld [tilespmem:s22+$0x13877]  }
0xfb: {  	v55 =	vld [tilespmem:s20+$0x178FF];
	v3 =	vadd.f32 v49, v3;
	v4 =	vadd.f32 v50, v4  }
0xfc: {  	v56 =	vld [tilespmem:s22+$0x14088]  }
0xfd: {  	v3 =	vadd.f32 v51, v3;
	v4 =	vadd.f32 v52, v4  }
0xfe: {  	v57 =	vld [tilespmem:s22+$0x14899]  }
0xff: {  	v3 =	vadd.f32 v53, v3;
	v4 =	vadd.f32 v54, v4  }
0x100: {  	v58 =	vld [tilespmem:s22+$0x150AA]  }
0x101: {  	v3 =	vadd.f32 v55, v3;
	v4 =	vadd.f32 v56, v4  }
0x102: {  	v59 =	vld [tilespmem:s22+$0x158BB]  }
0x103: {  	[tilespmem:s20+$0x18180] =	vst v3;
	v3 =	vadd.f32 v57, v4  }
0x104: {  	v60 =	vld [tilespmem:s22+$0x160CC]  }
0x105: {  	v3 =	vadd.f32 v58, v3  }
0x106: {  	v61 =	vld [tilespmem:s22+$0x168DD]  }
0x107: {  	v3 =	vadd.f32 v59, v3  }
0x108: {  	v62 =	vld [tilespmem:s22+$0x170EE]  }
0x109: {  	v3 =	vadd.f32 v60, v3  }
0x10a: {  	v63 =	vld [tilespmem:s22+$0x178FF]  }
0x10b: {  	v3 =	vadd.f32 v61, v3;
	_ =	sdelay $0x1  }
0x10c: {  	v3 =	vadd.f32 v62, v3;
	_ =	sdelay $0x1  }
0x10d: {  	s19 =	sadd.s32 $0x1, s19;
	v3 =	vadd.f32 v63, v3  }
0x10e: {  	p0 =	sne.s32 s19, s10  }
.Ltmp5:
0x10f: {  	[tilespmem:s22+$0x18180] =	vst v3;
	(pc) =	sbr.rel @p0 .LBB2_1-.Ltmp5, $4  }
0x110: {  	[hbm4b:s9+s3] =	stream.linear.scatter [tilespmem:s18], [sflag:$0x3], $0x800, $0x38;
	[tilespmem:$0x18A80] =	vst v63  }
0x111: {  	_ =	swait.ge [sflag:s12], $0x800  }
0x112: {  	[sflag:s12] =	ssyncset.done $0x0  }
0x113: {  	[sflag:s12] =	ssyncadd.s32 $0xFFFFF800  }
0x114: {  	_ =	sfence.sel $0x180000  }
0x115: {  	[bflag:$0x0] =	sbarrier.arrive $0xFFFF  }
0x116: {  	p0 =	sne.s32 s2, $0x0;
	_ =	strace $0x90000047  }
0x117: {  	s0 =	sadd.s32 @!p0 $0x100000, s0;
	[bflag:$0x2] =	sbarrier.arrive $0xFFFF  }
0x118: {  	[sflag:s0] =	ssyncadd.tile.s32 @!p0 $0x1;
	_ =	shalt  }
.Lfunc_end2:
_tile_overlayer_lowered:
.L_overlay_start_2:
0x119: {  	(tag) =	ssettag $0x2  }
0x11a: {  	s0 =	rddreg [dreg:$0x0];
	s2 =	stileid.u32  }
0x11b: {  	s1 =	rddreg [dreg:$0x1];
	p0 =	sne.s32 s2, $0x0  }
0x11c: {  	s3 =	rddreg [dreg:$0x2];
	[bflag:$0x3] =	sbarrier.arrive $0xFFFF;
	s2 =	simm.s32 @!p0 $0x1C03  }
0x11d: {  	[timem:s3], [sflag:s2] =	dma.local @!p0 [hbm:s0], s1  }
0x11e: {  	s0 =	simm.s32 @!p0 $0x3  }
0x11f: {  	_ =	swait.ge @!p0 [sflag:s0], s1  }
0x120: {  	s1 =	ssub.s32 @!p0 $0x0, s1;
	[sflag:s0] =	ssyncset.done @!p0 $0x0  }
0x121: {  	[sflag:s0] =	ssyncadd.s32 @!p0 s1  }
0x122: {  	[bflag:$0x3] =	sbarrier.arrive $0xFFFF  }
0x123: {  	_ =	shalt  }

</sc_bundles>
